<compile_context>
chip_gen: v7x
topology: tpu7x:2x2x1
jax: 0.10.2.dev20260603
libtpu: 0.0.44.dev20260713+nightly
codegen_flags: <defaults>
</compile_context>

<pallas_src>
import functools

import jax
import jax.numpy as jnp
from jax import lax
from jax.experimental import pallas as pl
from jax.experimental.pallas import tpu as pltpu
from jax.experimental.pallas import tpu_sc as plsc

D = 64
ROW_LEN = 50
IDX_PAD = 64
GATHER_W = 56
NUM_WORKERS = 32
K = 8


def _idx_prep(x):
    n = x.shape[0]
    br = 2048

    def body(x_ref, o_ref):
        xb = x_ref[...]
        o_ref[...] = jnp.concatenate(
            [xb, xb[:, ROW_LEN - (IDX_PAD - ROW_LEN):]], axis=1)

    return pl.pallas_call(
        body,
        grid=(n // br,),
        in_specs=[pl.BlockSpec((br, ROW_LEN), lambda i: (i, 0))],
        out_specs=pl.BlockSpec((br, IDX_PAD), lambda i: (i, 0)),
        out_shape=jax.ShapeDtypeStruct((n, IDX_PAD), jnp.int32),
    )(x)


def _make_sc_kernel(num_rows):
    rows_per_w = num_rows // NUM_WORKERS
    num_chunks = rows_per_w // K
    assert rows_per_w % K == 0 and num_chunks % 2 == 0 and num_chunks >= 4
    mesh = plsc.VectorSubcoreMesh(core_axis_name="c", subcore_axis_name="s")

    @functools.partial(
        pl.kernel,
        out_type=jax.ShapeDtypeStruct((num_rows, ROW_LEN, D), jnp.float32),
        mesh=mesh,
        scratch_types=[
            pltpu.VMEM((2, K, IDX_PAD), jnp.int32),
            pltpu.VMEM((2, K, GATHER_W, D), jnp.float32),
            pltpu.SemaphoreType.DMA,
            pltpu.SemaphoreType.DMA((2,)),
            pltpu.SemaphoreType.DMA((2,)),
        ],
        compiler_params=pltpu.CompilerParams(use_tc_tiling_on_sc=False),
    )
    def emb(table_hbm, idx_hbm, out_hbm, idx_v, rows_v, gsem, isem, osem):
        wid = lax.axis_index("s") * 2 + lax.axis_index("c")
        base_row = wid * rows_per_w

        def idx_start(c, b):
            pltpu.async_copy(
                idx_hbm.at[pl.ds(base_row + c * K, K)],
                idx_v.at[b], isem.at[b])

        def idx_wait(c, b):
            pltpu.make_async_copy(
                idx_hbm.at[pl.ds(base_row + c * K, K)],
                idx_v.at[b], isem.at[b]).wait()

        def out_start(c, b):
            pltpu.async_copy(
                rows_v.at[b, :, pl.ds(0, ROW_LEN)],
                out_hbm.at[pl.ds(base_row + c * K, K)], osem.at[b])

        def out_wait(c, b):
            pltpu.make_async_copy(
                rows_v.at[b, :, pl.ds(0, ROW_LEN)],
                out_hbm.at[pl.ds(base_row + c * K, K)], osem.at[b]).wait()

        idx_start(0, 0)
        idx_start(1, 1)

        @pl.loop(0, num_chunks)
        def chunk(c):
            b = c % 2
            idx_wait(c, b)

            @pl.when(c >= 2)
            def _():
                out_wait(c - 2, b)

            @pl.loop(0, K)
            def fire(j):
                pltpu.async_copy(
                    table_hbm.at[idx_v.at[b, j, pl.ds(0, GATHER_W)]],
                    rows_v.at[b, j], gsem)

            @pl.loop(0, K)
            def drain(j):
                pltpu.make_async_copy(
                    table_hbm.at[idx_v.at[b, j, pl.ds(0, GATHER_W)]],
                    rows_v.at[b, j], gsem).wait()

            out_start(c, b)

            @pl.when(c + 2 < num_chunks)
            def _():
                idx_start(c + 2, b)

        out_wait(num_chunks - 2, 0)
        out_wait(num_chunks - 1, 1)

    return emb


def kernel(x, W_embed):
    b0, _ = x.shape
    idx = _idx_prep(x.astype(jnp.int32))
    return _make_sc_kernel(b0)(W_embed, idx)

# --- scband reference (transcript-rebuilt; emitter-appended) ---
"""Pipeline reference for scband-word-embedding-80891414053412 (READ-ONLY COPY).

The authoritative reference and input builder live on the scoring server;
editing this copy changes nothing except your own understanding.
"""

import math
import jax, jax.numpy as jnp
import numpy as np

VOCAB_SIZE = 1000000
EMBED_SIZE = 64

def setup_inputs(seed: int = 0) -> dict:
    key = jax.random.key(seed)
    k_idx, k_w = jax.random.split(key)
    x = jax.random.randint(k_idx, (16384, 50), 0, VOCAB_SIZE, dtype=jnp.int64)
    W_embed = jax.random.normal(k_w, (VOCAB_SIZE, EMBED_SIZE), dtype=jnp.float32) / math.sqrt(VOCAB_SIZE)
    return {"x": x, "W_embed": W_embed}

def reference(x, W_embed):
    out = jnp.take(W_embed, x, axis=0)
    return out

if __name__ == "__main__":
    import jax
    _d = setup_inputs()
    print(jax.jit(kernel)(*tuple(_d.values())))

</pallas_src>

<mosaic_0001>
#map = affine_map<(d0, d1) -> (0, 0)>
#map1 = affine_map<(d0, d1) -> (0, 0, 0)>
module attributes {stable_mosaic.version = 14 : i64} {
  func.func @emb(%arg0: i32, %arg1: i32, %arg2: memref<1000000x64xf32, #tpu.memory_space<hbm>>, %arg3: memref<16384x64xi32, #tpu.memory_space<hbm>>, %arg4: memref<16384x50x64xf32, #tpu.memory_space<hbm>>, %arg5: memref<2x8x64xi32, #tpu.memory_space<vmem>>, %arg6: memref<2x8x56x64xf32, #tpu.memory_space<vmem>>, %arg7: memref<!tpu.dma_semaphore, #tpu.memory_space<semaphore_mem>>, %arg8: memref<2x!tpu.dma_semaphore, #tpu.memory_space<semaphore_mem>>, %arg9: memref<2x!tpu.dma_semaphore, #tpu.memory_space<semaphore_mem>>) attributes {dimension_semantics = [#tpu.dimension_semantics<core_parallel>, #tpu.dimension_semantics<subcore_parallel>], iteration_bounds = array<i64: 2, 16>, scalar_prefetch = 0 : i64, scratch_operands = 5 : i64, tpu.core_type = #tpu.core_type<sc_vector_subcore>, window_params = [{transform_indices = #map}, {transform_indices = #map}, {transform_indices = #map1}]} {
    %mul3A = arith.constant 2 : i32
    %mul3A_0 = arith.muli %arg1, %mul3A : i32
    %add3A = arith.addi %mul3A_0, %arg0 : i32
    %mul3A_1 = arith.constant 512 : i32
    %mul3A_2 = arith.muli %add3A, %mul3A_1 : i32
    %add3A_3 = arith.constant 0 : i32
    %add3A_4 = arith.addi %mul3A_2, %add3A_3 : i32
    %dma_start3A = arith.constant 0 : i32
    %dma_start3A_5 = arith.constant 0 : i32
    %dma_start3A_6 = arith.constant 0 : i32
    %dma_start3A_7 = arith.constant 0 : i32
    %dma_start3A_8 = tpu.memref_slice %arg5[%dma_start3A, %dma_start3A_6, %dma_start3A_7] : memref<2x8x64xi32, #tpu.memory_space<vmem>> -> memref<1x8x64xi32, #tpu.memory_space<vmem>>
    %dma_start3A_9 = tpu.memref_squeeze %dma_start3A_8 : memref<1x8x64xi32, #tpu.memory_space<vmem>> -> memref<8x64xi32, #tpu.memory_space<vmem>>
    %dma_start3A_10 = arith.constant 0 : i32
    %dma_start3A_11 = tpu.memref_slice %arg3[%add3A_4, %dma_start3A_10] : memref<16384x64xi32, #tpu.memory_space<hbm>> -> memref<8x64xi32, #tpu.memory_space<hbm>>
    %dma_start3A_12 = tpu.memref_slice %arg8[%dma_start3A_5] : memref<2x!tpu.dma_semaphore, #tpu.memory_space<semaphore_mem>> -> memref<1x!tpu.dma_semaphore, #tpu.memory_space<semaphore_mem>>
    %dma_start3A_13 = tpu.memref_squeeze %dma_start3A_12 : memref<1x!tpu.dma_semaphore, #tpu.memory_space<semaphore_mem>> -> memref<!tpu.dma_semaphore, #tpu.memory_space<semaphore_mem>>
    %dma_start3A_14 = arith.constant 0 : i32
    %dma_start3A_15 = arith.constant 0 : i32
    %dma_start3A_16 = tpu.memref_slice %arg5[%dma_start3A, %dma_start3A_14, %dma_start3A_15] : memref<2x8x64xi32, #tpu.memory_space<vmem>> -> memref<1x8x64xi32, #tpu.memory_space<vmem>>
    %dma_start3A_17 = tpu.memref_squeeze %dma_start3A_16 : memref<1x8x64xi32, #tpu.memory_space<vmem>> -> memref<8x64xi32, #tpu.memory_space<vmem>>
    %dma_start3A_18 = arith.constant 0 : i32
    %dma_start3A_19 = tpu.memref_slice %arg3[%add3A_4, %dma_start3A_18] : memref<16384x64xi32, #tpu.memory_space<hbm>> -> memref<8x64xi32, #tpu.memory_space<hbm>>
    tpu.enqueue_dma source(%dma_start3A_19 : memref<8x64xi32, #tpu.memory_space<hbm>>) target(%dma_start3A_17 : memref<8x64xi32, #tpu.memory_space<vmem>>) target_semaphore(%dma_start3A_13 : memref<!tpu.dma_semaphore, #tpu.memory_space<semaphore_mem>>)
    %add3A_20 = arith.constant 8 : i32
    %add3A_21 = arith.addi %mul3A_2, %add3A_20 : i32
    %dma_start3A_22 = arith.constant 1 : i32
    %dma_start3A_23 = arith.constant 1 : i32
    %dma_start3A_24 = arith.constant 0 : i32
    %dma_start3A_25 = arith.constant 0 : i32
    %dma_start3A_26 = tpu.memref_slice %arg5[%dma_start3A_22, %dma_start3A_24, %dma_start3A_25] : memref<2x8x64xi32, #tpu.memory_space<vmem>> -> memref<1x8x64xi32, #tpu.memory_space<vmem>>
    %dma_start3A_27 = tpu.memref_squeeze %dma_start3A_26 : memref<1x8x64xi32, #tpu.memory_space<vmem>> -> memref<8x64xi32, #tpu.memory_space<vmem>>
    %dma_start3A_28 = arith.constant 0 : i32
    %dma_start3A_29 = tpu.memref_slice %arg3[%add3A_21, %dma_start3A_28] : memref<16384x64xi32, #tpu.memory_space<hbm>> -> memref<8x64xi32, #tpu.memory_space<hbm>>
    %dma_start3A_30 = tpu.memref_slice %arg8[%dma_start3A_23] : memref<2x!tpu.dma_semaphore, #tpu.memory_space<semaphore_mem>> -> memref<1x!tpu.dma_semaphore, #tpu.memory_space<semaphore_mem>>
    %dma_start3A_31 = tpu.memref_squeeze %dma_start3A_30 : memref<1x!tpu.dma_semaphore, #tpu.memory_space<semaphore_mem>> -> memref<!tpu.dma_semaphore, #tpu.memory_space<semaphore_mem>>
    %dma_start3A_32 = arith.constant 0 : i32
    %dma_start3A_33 = arith.constant 0 : i32
    %dma_start3A_34 = tpu.memref_slice %arg5[%dma_start3A_22, %dma_start3A_32, %dma_start3A_33] : memref<2x8x64xi32, #tpu.memory_space<vmem>> -> memref<1x8x64xi32, #tpu.memory_space<vmem>>
    %dma_start3A_35 = tpu.memref_squeeze %dma_start3A_34 : memref<1x8x64xi32, #tpu.memory_space<vmem>> -> memref<8x64xi32, #tpu.memory_space<vmem>>
    %dma_start3A_36 = arith.constant 0 : i32
    %dma_start3A_37 = tpu.memref_slice %arg3[%add3A_21, %dma_start3A_36] : memref<16384x64xi32, #tpu.memory_space<hbm>> -> memref<8x64xi32, #tpu.memory_space<hbm>>
    tpu.enqueue_dma source(%dma_start3A_37 : memref<8x64xi32, #tpu.memory_space<hbm>>) target(%dma_start3A_35 : memref<8x64xi32, #tpu.memory_space<vmem>>) target_semaphore(%dma_start3A_31 : memref<!tpu.dma_semaphore, #tpu.memory_space<semaphore_mem>>)
    %scan3A = arith.constant 0 : i32
    %scan3A_38 = arith.constant 64 : i32
    %scan3A_39 = arith.addi %scan3A, %scan3A_38 : i32
    %scan3A_40 = arith.constant 1 : i32
    scf.for %scan3A_85 = %scan3A to %scan3A_39 step %scan3A_40  : i32 {
      %mul3A_86 = arith.constant 1 : i32
      %mul3A_87 = arith.muli %scan3A_85, %mul3A_86 : i32
      %add3A_88 = arith.constant 0 : i32
      %add3A_89 = arith.addi %add3A_88, %mul3A_87 : i32
      %jit3A = arith.constant 2 : i32
      %eq3A = arith.constant 0 : i32
      %eq3A_90 = arith.cmpi eq, %jit3A, %eq3A : i32
      %jit3A_91 = arith.constant 1 : i32
      %select_n3A = arith.select %eq3A_90, %jit3A_91, %jit3A : i32
      %rem3A = arith.remsi %add3A_89, %select_n3A : i32
      %ne3A = arith.constant 0 : i32
      %ne3A_92 = arith.cmpi ne, %rem3A, %ne3A : i32
      %lt3A = arith.constant 0 : i32
      %lt3A_93 = arith.cmpi slt, %rem3A, %lt3A : i32
      %lt3A_94 = arith.constant 0 : i32
      %lt3A_95 = arith.cmpi slt, %select_n3A, %lt3A_94 : i32
      %ne3A_96 = arith.xori %lt3A_93, %lt3A_95 : i1
      %and3A = arith.andi %ne3A_96, %ne3A_92 : i1
      %add3A_97 = arith.addi %rem3A, %select_n3A : i32
      %select_n3A_98 = arith.select %and3A, %add3A_97, %rem3A : i32
      %mul3A_99 = arith.constant 8 : i32
      %mul3A_100 = arith.muli %add3A_89, %mul3A_99 : i32
      %add3A_101 = arith.addi %mul3A_2, %mul3A_100 : i32
      %dma_wait3A_102 = arith.constant 0 : i32
      %dma_wait3A_103 = arith.constant 0 : i32
      %dma_wait3A_104 = tpu.memref_slice %arg5[%select_n3A_98, %dma_wait3A_102, %dma_wait3A_103] : memref<2x8x64xi32, #tpu.memory_space<vmem>> -> memref<1x8x64xi32, #tpu.memory_space<vmem>>
      %dma_wait3A_105 = tpu.memref_squeeze %dma_wait3A_104 : memref<1x8x64xi32, #tpu.memory_space<vmem>> -> memref<8x64xi32, #tpu.memory_space<vmem>>
      %dma_wait3A_106 = arith.constant 0 : i32
      %dma_wait3A_107 = tpu.memref_slice %arg3[%add3A_101, %dma_wait3A_106] : memref<16384x64xi32, #tpu.memory_space<hbm>> -> memref<8x64xi32, #tpu.memory_space<hbm>>
      %dma_wait3A_108 = tpu.memref_slice %arg8[%select_n3A_98] : memref<2x!tpu.dma_semaphore, #tpu.memory_space<semaphore_mem>> -> memref<1x!tpu.dma_semaphore, #tpu.memory_space<semaphore_mem>>
      %dma_wait3A_109 = tpu.memref_squeeze %dma_wait3A_108 : memref<1x!tpu.dma_semaphore, #tpu.memory_space<semaphore_mem>> -> memref<!tpu.dma_semaphore, #tpu.memory_space<semaphore_mem>>
      %dma_wait3A_110 = arith.constant 0 : i32
      %dma_wait3A_111 = arith.constant 0 : i32
      %dma_wait3A_112 = tpu.memref_slice %arg5[%select_n3A_98, %dma_wait3A_110, %dma_wait3A_111] : memref<2x8x64xi32, #tpu.memory_space<vmem>> -> memref<1x8x64xi32, #tpu.memory_space<vmem>>
      %dma_wait3A_113 = tpu.memref_squeeze %dma_wait3A_112 : memref<1x8x64xi32, #tpu.memory_space<vmem>> -> memref<8x64xi32, #tpu.memory_space<vmem>>
      %dma_wait3A_114 = arith.constant 0 : i32
      %dma_wait3A_115 = tpu.memref_slice %arg3[%add3A_101, %dma_wait3A_114] : memref<16384x64xi32, #tpu.memory_space<hbm>> -> memref<8x64xi32, #tpu.memory_space<hbm>>
      tpu.wait_dma2 semaphore(%dma_wait3A_109 : memref<!tpu.dma_semaphore, #tpu.memory_space<semaphore_mem>>) src(%dma_wait3A_115 : memref<8x64xi32, #tpu.memory_space<hbm>>) dst(%dma_wait3A_113 : memref<8x64xi32, #tpu.memory_space<vmem>>)
      %ge3A = arith.constant 2 : i32
      %ge3A_116 = arith.cmpi sge, %add3A_89, %ge3A : i32
      %convert_element_type3A = arith.extui %ge3A_116 : i1 to i32
      %cond3A = arith.constant 0 : i32
      %cond3A_117 = arith.cmpi ne, %convert_element_type3A, %cond3A : i32
      scf.if %cond3A_117 {
        %sub3A = arith.constant 2 : i32
        %sub3A_156 = arith.subi %add3A_89, %sub3A : i32
        %mul3A_157 = arith.constant 8 : i32
        %mul3A_158 = arith.muli %sub3A_156, %mul3A_157 : i32
        %add3A_159 = arith.addi %mul3A_2, %mul3A_158 : i32
        %dma_wait3A_160 = arith.constant 0 : i32
        %dma_wait3A_161 = arith.constant 0 : i32
        %dma_wait3A_162 = arith.constant 0 : i32
        %dma_wait3A_163 = tpu.memref_slice %arg6[%select_n3A_98, %dma_wait3A_160, %dma_wait3A_161, %dma_wait3A_162] : memref<2x8x56x64xf32, #tpu.memory_space<vmem>> -> memref<1x8x50x64xf32, #tpu.memory_space<vmem>>
        %dma_wait3A_164 = tpu.memref_squeeze %dma_wait3A_163 : memref<1x8x50x64xf32, #tpu.memory_space<vmem>> -> memref<8x50x64xf32, #tpu.memory_space<vmem>>
        %dma_wait3A_165 = arith.constant 0 : i32
        %dma_wait3A_166 = arith.constant 0 : i32
        %dma_wait3A_167 = tpu.memref_slice %arg4[%add3A_159, %dma_wait3A_165, %dma_wait3A_166] : memref<16384x50x64xf32, #tpu.memory_space<hbm>> -> memref<8x50x64xf32, #tpu.memory_space<hbm>>
        %dma_wait3A_168 = tpu.memref_slice %arg9[%select_n3A_98] : memref<2x!tpu.dma_semaphore, #tpu.memory_space<semaphore_mem>> -> memref<1x!tpu.dma_semaphore, #tpu.memory_space<semaphore_mem>>
        %dma_wait3A_169 = tpu.memref_squeeze %dma_wait3A_168 : memref<1x!tpu.dma_semaphore, #tpu.memory_space<semaphore_mem>> -> memref<!tpu.dma_semaphore, #tpu.memory_space<semaphore_mem>>
        %dma_wait3A_170 = arith.constant 0 : i32
        %dma_wait3A_171 = arith.constant 0 : i32
        %dma_wait3A_172 = tpu.memref_slice %arg4[%add3A_159, %dma_wait3A_170, %dma_wait3A_171] : memref<16384x50x64xf32, #tpu.memory_space<hbm>> -> memref<8x50x64xf32, #tpu.memory_space<hbm>>
        %dma_wait3A_173 = arith.constant 0 : i32
        %dma_wait3A_174 = arith.constant 0 : i32
        %dma_wait3A_175 = arith.constant 0 : i32
        %dma_wait3A_176 = tpu.memref_slice %arg6[%select_n3A_98, %dma_wait3A_173, %dma_wait3A_174, %dma_wait3A_175] : memref<2x8x56x64xf32, #tpu.memory_space<vmem>> -> memref<1x8x50x64xf32, #tpu.memory_space<vmem>>
        %dma_wait3A_177 = tpu.memref_squeeze %dma_wait3A_176 : memref<1x8x50x64xf32, #tpu.memory_space<vmem>> -> memref<8x50x64xf32, #tpu.memory_space<vmem>>
        tpu.wait_dma2 semaphore(%dma_wait3A_169 : memref<!tpu.dma_semaphore, #tpu.memory_space<semaphore_mem>>) src(%dma_wait3A_177 : memref<8x50x64xf32, #tpu.memory_space<vmem>>) dst(%dma_wait3A_172 : memref<8x50x64xf32, #tpu.memory_space<hbm>>)
      } else {
      }
      %scan3A_118 = arith.constant 0 : i32
      %scan3A_119 = arith.constant 8 : i32
      %scan3A_120 = arith.addi %scan3A_118, %scan3A_119 : i32
      %scan3A_121 = arith.constant 1 : i32
      scf.for %scan3A_156 = %scan3A_118 to %scan3A_120 step %scan3A_121  : i32 {
        %mul3A_157 = arith.constant 1 : i32
        %mul3A_158 = arith.muli %scan3A_156, %mul3A_157 : i32
        %add3A_159 = arith.constant 0 : i32
        %add3A_160 = arith.addi %add3A_159, %mul3A_158 : i32
        %dma_start3A_161 = arith.constant 0 : i32
        %dma_start3A_162 = arith.constant 0 : i32
        %dma_start3A_163 = tpu.memref_slice %arg6[%select_n3A_98, %add3A_160, %dma_start3A_161, %dma_start3A_162] : memref<2x8x56x64xf32, #tpu.memory_space<vmem>> -> memref<1x1x56x64xf32, #tpu.memory_space<vmem>>
        %dma_start3A_164 = tpu.memref_squeeze %dma_start3A_163 : memref<1x1x56x64xf32, #tpu.memory_space<vmem>> -> memref<56x64xf32, #tpu.memory_space<vmem>>
        %dma_start3A_165 = arith.constant 0 : i32
        %dma_start3A_166 = tpu.memref_slice %arg5[%select_n3A_98, %add3A_160, %dma_start3A_165] : memref<2x8x64xi32, #tpu.memory_space<vmem>> -> memref<1x1x56xi32, #tpu.memory_space<vmem>>
        %dma_start3A_167 = tpu.memref_squeeze %dma_start3A_166 : memref<1x1x56xi32, #tpu.memory_space<vmem>> -> memref<56xi32, #tpu.memory_space<vmem>>
        %dma_start3A_168 = arith.constant 0 : i32
        %dma_start3A_169 = arith.constant 0 : i32
        %dma_start3A_170 = tpu.memref_slice %arg2[%dma_start3A_168, %dma_start3A_169] : memref<1000000x64xf32, #tpu.memory_space<hbm>> -> memref<1000000x64xf32, #tpu.memory_space<hbm>>
        tpu.enqueue_indirect_dma source(%dma_start3A_170 : memref<1000000x64xf32, #tpu.memory_space<hbm>>) target(%dma_start3A_164 : memref<56x64xf32, #tpu.memory_space<vmem>>) offsets(%dma_start3A_167 : memref<56xi32, #tpu.memory_space<vmem>>) semaphore(%arg7 : memref<!tpu.dma_semaphore, #tpu.memory_space<semaphore_mem>>)
      }
      %scan3A_122 = arith.constant 8 : i32
      %scan3A_123 = arith.constant 0 : i32
      %scan3A_124 = arith.constant 8 : i32
      %scan3A_125 = arith.addi %scan3A_123, %scan3A_124 : i32
      %scan3A_126 = arith.constant 1 : i32
      scf.for %scan3A_156 = %scan3A_123 to %scan3A_125 step %scan3A_126  : i32 {
        %mul3A_157 = arith.constant 1 : i32
        %mul3A_158 = arith.muli %scan3A_156, %mul3A_157 : i32
        %add3A_159 = arith.constant 0 : i32
        %add3A_160 = arith.addi %add3A_159, %mul3A_158 : i32
        %dma_wait3A_161 = arith.constant 0 : i32
        %dma_wait3A_162 = arith.constant 0 : i32
        %dma_wait3A_163 = tpu.memref_slice %arg6[%select_n3A_98, %add3A_160, %dma_wait3A_161, %dma_wait3A_162] : memref<2x8x56x64xf32, #tpu.memory_space<vmem>> -> memref<1x1x56x64xf32, #tpu.memory_space<vmem>>
        %dma_wait3A_164 = tpu.memref_squeeze %dma_wait3A_163 : memref<1x1x56x64xf32, #tpu.memory_space<vmem>> -> memref<56x64xf32, #tpu.memory_space<vmem>>
        %dma_wait3A_165 = arith.constant 0 : i32
        %dma_wait3A_166 = tpu.memref_slice %arg5[%select_n3A_98, %add3A_160, %dma_wait3A_165] : memref<2x8x64xi32, #tpu.memory_space<vmem>> -> memref<1x1x56xi32, #tpu.memory_space<vmem>>
        %dma_wait3A_167 = tpu.memref_squeeze %dma_wait3A_166 : memref<1x1x56xi32, #tpu.memory_space<vmem>> -> memref<56xi32, #tpu.memory_space<vmem>>
        %dma_wait3A_168 = arith.constant 0 : i32
        %dma_wait3A_169 = arith.constant 0 : i32
        %dma_wait3A_170 = tpu.memref_slice %arg2[%dma_wait3A_168, %dma_wait3A_169] : memref<1000000x64xf32, #tpu.memory_space<hbm>> -> memref<1000000x64xf32, #tpu.memory_space<hbm>>
        tpu.wait_indirect_dma semaphore(%arg7 : memref<!tpu.dma_semaphore, #tpu.memory_space<semaphore_mem>>) src(%dma_wait3A_170 : memref<1000000x64xf32, #tpu.memory_space<hbm>>) dst(%dma_wait3A_164 : memref<56x64xf32, #tpu.memory_space<vmem>>)
      }
      %scan3A_127 = arith.constant 8 : i32
      %mul3A_128 = arith.constant 8 : i32
      %mul3A_129 = arith.muli %add3A_89, %mul3A_128 : i32
      %add3A_130 = arith.addi %mul3A_2, %mul3A_129 : i32
      %dma_start3A_131 = arith.constant 0 : i32
      %dma_start3A_132 = arith.constant 0 : i32
      %dma_start3A_133 = arith.constant 0 : i32
      %dma_start3A_134 = tpu.memref_slice %arg6[%select_n3A_98, %dma_start3A_131, %dma_start3A_132, %dma_start3A_133] : memref<2x8x56x64xf32, #tpu.memory_space<vmem>> -> memref<1x8x50x64xf32, #tpu.memory_space<vmem>>
      %dma_start3A_135 = tpu.memref_squeeze %dma_start3A_134 : memref<1x8x50x64xf32, #tpu.memory_space<vmem>> -> memref<8x50x64xf32, #tpu.memory_space<vmem>>
      %dma_start3A_136 = arith.constant 0 : i32
      %dma_start3A_137 = arith.constant 0 : i32
      %dma_start3A_138 = tpu.memref_slice %arg4[%add3A_130, %dma_start3A_136, %dma_start3A_137] : memref<16384x50x64xf32, #tpu.memory_space<hbm>> -> memref<8x50x64xf32, #tpu.memory_space<hbm>>
      %dma_start3A_139 = tpu.memref_slice %arg9[%select_n3A_98] : memref<2x!tpu.dma_semaphore, #tpu.memory_space<semaphore_mem>> -> memref<1x!tpu.dma_semaphore, #tpu.memory_space<semaphore_mem>>
      %dma_start3A_140 = tpu.memref_squeeze %dma_start3A_139 : memref<1x!tpu.dma_semaphore, #tpu.memory_space<semaphore_mem>> -> memref<!tpu.dma_semaphore, #tpu.memory_space<semaphore_mem>>
      %dma_start3A_141 = arith.constant 0 : i32
      %dma_start3A_142 = arith.constant 0 : i32
      %dma_start3A_143 = tpu.memref_slice %arg4[%add3A_130, %dma_start3A_141, %dma_start3A_142] : memref<16384x50x64xf32, #tpu.memory_space<hbm>> -> memref<8x50x64xf32, #tpu.memory_space<hbm>>
      %dma_start3A_144 = arith.constant 0 : i32
      %dma_start3A_145 = arith.constant 0 : i32
      %dma_start3A_146 = arith.constant 0 : i32
      %dma_start3A_147 = tpu.memref_slice %arg6[%select_n3A_98, %dma_start3A_144, %dma_start3A_145, %dma_start3A_146] : memref<2x8x56x64xf32, #tpu.memory_space<vmem>> -> memref<1x8x50x64xf32, #tpu.memory_space<vmem>>
      %dma_start3A_148 = tpu.memref_squeeze %dma_start3A_147 : memref<1x8x50x64xf32, #tpu.memory_space<vmem>> -> memref<8x50x64xf32, #tpu.memory_space<vmem>>
      tpu.enqueue_dma source(%dma_start3A_148 : memref<8x50x64xf32, #tpu.memory_space<vmem>>) target(%dma_start3A_143 : memref<8x50x64xf32, #tpu.memory_space<hbm>>) target_semaphore(%dma_start3A_140 : memref<!tpu.dma_semaphore, #tpu.memory_space<semaphore_mem>>)
      %add3A_149 = arith.constant 2 : i32
      %add3A_150 = arith.addi %add3A_89, %add3A_149 : i32
      %lt3A_151 = arith.constant 64 : i32
      %lt3A_152 = arith.cmpi slt, %add3A_150, %lt3A_151 : i32
      %convert_element_type3A_153 = arith.extui %lt3A_152 : i1 to i32
      %cond3A_154 = arith.constant 0 : i32
      %cond3A_155 = arith.cmpi ne, %convert_element_type3A_153, %cond3A_154 : i32
      scf.if %cond3A_155 {
        %add3A_156 = arith.constant 2 : i32
        %add3A_157 = arith.addi %add3A_89, %add3A_156 : i32
        %mul3A_158 = arith.constant 8 : i32
        %mul3A_159 = arith.muli %add3A_157, %mul3A_158 : i32
        %add3A_160 = arith.addi %mul3A_2, %mul3A_159 : i32
        %dma_start3A_161 = arith.constant 0 : i32
        %dma_start3A_162 = arith.constant 0 : i32
        %dma_start3A_163 = tpu.memref_slice %arg5[%select_n3A_98, %dma_start3A_161, %dma_start3A_162] : memref<2x8x64xi32, #tpu.memory_space<vmem>> -> memref<1x8x64xi32, #tpu.memory_space<vmem>>
        %dma_start3A_164 = tpu.memref_squeeze %dma_start3A_163 : memref<1x8x64xi32, #tpu.memory_space<vmem>> -> memref<8x64xi32, #tpu.memory_space<vmem>>
        %dma_start3A_165 = arith.constant 0 : i32
        %dma_start3A_166 = tpu.memref_slice %arg3[%add3A_160, %dma_start3A_165] : memref<16384x64xi32, #tpu.memory_space<hbm>> -> memref<8x64xi32, #tpu.memory_space<hbm>>
        %dma_start3A_167 = tpu.memref_slice %arg8[%select_n3A_98] : memref<2x!tpu.dma_semaphore, #tpu.memory_space<semaphore_mem>> -> memref<1x!tpu.dma_semaphore, #tpu.memory_space<semaphore_mem>>
        %dma_start3A_168 = tpu.memref_squeeze %dma_start3A_167 : memref<1x!tpu.dma_semaphore, #tpu.memory_space<semaphore_mem>> -> memref<!tpu.dma_semaphore, #tpu.memory_space<semaphore_mem>>
        %dma_start3A_169 = arith.constant 0 : i32
        %dma_start3A_170 = arith.constant 0 : i32
        %dma_start3A_171 = tpu.memref_slice %arg5[%select_n3A_98, %dma_start3A_169, %dma_start3A_170] : memref<2x8x64xi32, #tpu.memory_space<vmem>> -> memref<1x8x64xi32, #tpu.memory_space<vmem>>
        %dma_start3A_172 = tpu.memref_squeeze %dma_start3A_171 : memref<1x8x64xi32, #tpu.memory_space<vmem>> -> memref<8x64xi32, #tpu.memory_space<vmem>>
        %dma_start3A_173 = arith.constant 0 : i32
        %dma_start3A_174 = tpu.memref_slice %arg3[%add3A_160, %dma_start3A_173] : memref<16384x64xi32, #tpu.memory_space<hbm>> -> memref<8x64xi32, #tpu.memory_space<hbm>>
        tpu.enqueue_dma source(%dma_start3A_174 : memref<8x64xi32, #tpu.memory_space<hbm>>) target(%dma_start3A_172 : memref<8x64xi32, #tpu.memory_space<vmem>>) target_semaphore(%dma_start3A_168 : memref<!tpu.dma_semaphore, #tpu.memory_space<semaphore_mem>>)
      } else {
      }
    }
    %scan3A_41 = arith.constant 64 : i32
    %add3A_42 = arith.constant 496 : i32
    %add3A_43 = arith.addi %mul3A_2, %add3A_42 : i32
    %dma_wait3A = arith.constant 0 : i32
    %dma_wait3A_44 = arith.constant 0 : i32
    %dma_wait3A_45 = arith.constant 0 : i32
    %dma_wait3A_46 = arith.constant 0 : i32
    %dma_wait3A_47 = arith.constant 0 : i32
    %dma_wait3A_48 = tpu.memref_slice %arg6[%dma_wait3A, %dma_wait3A_45, %dma_wait3A_46, %dma_wait3A_47] : memref<2x8x56x64xf32, #tpu.memory_space<vmem>> -> memref<1x8x50x64xf32, #tpu.memory_space<vmem>>
    %dma_wait3A_49 = tpu.memref_squeeze %dma_wait3A_48 : memref<1x8x50x64xf32, #tpu.memory_space<vmem>> -> memref<8x50x64xf32, #tpu.memory_space<vmem>>
    %dma_wait3A_50 = arith.constant 0 : i32
    %dma_wait3A_51 = arith.constant 0 : i32
    %dma_wait3A_52 = tpu.memref_slice %arg4[%add3A_43, %dma_wait3A_50, %dma_wait3A_51] : memref<16384x50x64xf32, #tpu.memory_space<hbm>> -> memref<8x50x64xf32, #tpu.memory_space<hbm>>
    %dma_wait3A_53 = tpu.memref_slice %arg9[%dma_wait3A_44] : memref<2x!tpu.dma_semaphore, #tpu.memory_space<semaphore_mem>> -> memref<1x!tpu.dma_semaphore, #tpu.memory_space<semaphore_mem>>
    %dma_wait3A_54 = tpu.memref_squeeze %dma_wait3A_53 : memref<1x!tpu.dma_semaphore, #tpu.memory_space<semaphore_mem>> -> memref<!tpu.dma_semaphore, #tpu.memory_space<semaphore_mem>>
    %dma_wait3A_55 = arith.constant 0 : i32
    %dma_wait3A_56 = arith.constant 0 : i32
    %dma_wait3A_57 = tpu.memref_slice %arg4[%add3A_43, %dma_wait3A_55, %dma_wait3A_56] : memref<16384x50x64xf32, #tpu.memory_space<hbm>> -> memref<8x50x64xf32, #tpu.memory_space<hbm>>
    %dma_wait3A_58 = arith.constant 0 : i32
    %dma_wait3A_59 = arith.constant 0 : i32
    %dma_wait3A_60 = arith.constant 0 : i32
    %dma_wait3A_61 = tpu.memref_slice %arg6[%dma_wait3A, %dma_wait3A_58, %dma_wait3A_59, %dma_wait3A_60] : memref<2x8x56x64xf32, #tpu.memory_space<vmem>> -> memref<1x8x50x64xf32, #tpu.memory_space<vmem>>
    %dma_wait3A_62 = tpu.memref_squeeze %dma_wait3A_61 : memref<1x8x50x64xf32, #tpu.memory_space<vmem>> -> memref<8x50x64xf32, #tpu.memory_space<vmem>>
    tpu.wait_dma2 semaphore(%dma_wait3A_54 : memref<!tpu.dma_semaphore, #tpu.memory_space<semaphore_mem>>) src(%dma_wait3A_62 : memref<8x50x64xf32, #tpu.memory_space<vmem>>) dst(%dma_wait3A_57 : memref<8x50x64xf32, #tpu.memory_space<hbm>>)
    %add3A_63 = arith.constant 504 : i32
    %add3A_64 = arith.addi %mul3A_2, %add3A_63 : i32
    %dma_wait3A_65 = arith.constant 1 : i32
    %dma_wait3A_66 = arith.constant 1 : i32
    %dma_wait3A_67 = arith.constant 0 : i32
    %dma_wait3A_68 = arith.constant 0 : i32
    %dma_wait3A_69 = arith.constant 0 : i32
    %dma_wait3A_70 = tpu.memref_slice %arg6[%dma_wait3A_65, %dma_wait3A_67, %dma_wait3A_68, %dma_wait3A_69] : memref<2x8x56x64xf32, #tpu.memory_space<vmem>> -> memref<1x8x50x64xf32, #tpu.memory_space<vmem>>
    %dma_wait3A_71 = tpu.memref_squeeze %dma_wait3A_70 : memref<1x8x50x64xf32, #tpu.memory_space<vmem>> -> memref<8x50x64xf32, #tpu.memory_space<vmem>>
    %dma_wait3A_72 = arith.constant 0 : i32
    %dma_wait3A_73 = arith.constant 0 : i32
    %dma_wait3A_74 = tpu.memref_slice %arg4[%add3A_64, %dma_wait3A_72, %dma_wait3A_73] : memref<16384x50x64xf32, #tpu.memory_space<hbm>> -> memref<8x50x64xf32, #tpu.memory_space<hbm>>
    %dma_wait3A_75 = tpu.memref_slice %arg9[%dma_wait3A_66] : memref<2x!tpu.dma_semaphore, #tpu.memory_space<semaphore_mem>> -> memref<1x!tpu.dma_semaphore, #tpu.memory_space<semaphore_mem>>
    %dma_wait3A_76 = tpu.memref_squeeze %dma_wait3A_75 : memref<1x!tpu.dma_semaphore, #tpu.memory_space<semaphore_mem>> -> memref<!tpu.dma_semaphore, #tpu.memory_space<semaphore_mem>>
    %dma_wait3A_77 = arith.constant 0 : i32
    %dma_wait3A_78 = arith.constant 0 : i32
    %dma_wait3A_79 = tpu.memref_slice %arg4[%add3A_64, %dma_wait3A_77, %dma_wait3A_78] : memref<16384x50x64xf32, #tpu.memory_space<hbm>> -> memref<8x50x64xf32, #tpu.memory_space<hbm>>
    %dma_wait3A_80 = arith.constant 0 : i32
    %dma_wait3A_81 = arith.constant 0 : i32
    %dma_wait3A_82 = arith.constant 0 : i32
    %dma_wait3A_83 = tpu.memref_slice %arg6[%dma_wait3A_65, %dma_wait3A_80, %dma_wait3A_81, %dma_wait3A_82] : memref<2x8x56x64xf32, #tpu.memory_space<vmem>> -> memref<1x8x50x64xf32, #tpu.memory_space<vmem>>
    %dma_wait3A_84 = tpu.memref_squeeze %dma_wait3A_83 : memref<1x8x50x64xf32, #tpu.memory_space<vmem>> -> memref<8x50x64xf32, #tpu.memory_space<vmem>>
    tpu.wait_dma2 semaphore(%dma_wait3A_76 : memref<!tpu.dma_semaphore, #tpu.memory_space<semaphore_mem>>) src(%dma_wait3A_84 : memref<8x50x64xf32, #tpu.memory_space<vmem>>) dst(%dma_wait3A_79 : memref<8x50x64xf32, #tpu.memory_space<hbm>>)
    return
  }
}

module attributes {stable_mosaic.version = 14 : i64} {
  func.func @body(%arg0: i32, %arg1: memref<2048x50xi32, #tpu.memory_space<vmem>>, %arg2: memref<2048x64xi32, #tpu.memory_space<vmem>>) attributes {dimension_semantics = [#tpu.dimension_semantics<arbitrary>], iteration_bounds = array<i64: 8>, scalar_prefetch = 0 : i64, scratch_operands = 0 : i64, tpu.core_type = #tpu.core_type<tc>, window_params = [{transform_indices = @transform_0, window_bounds = array<i64: 2048, 50>}, {transform_indices = @transform_1, window_bounds = array<i64: 2048, 64>}]} {
    %get3A = arith.constant 0 : index
    %get3A_0 = arith.constant 0 : index
    %get3A_1 = vector.load %arg1[%get3A, %get3A_0] : memref<2048x50xi32, #tpu.memory_space<vmem>>, vector<2048x50xi32>
    %slice3A = vector.extract_strided_slice %get3A_1 {offsets = [0, 36], sizes = [2048, 14], strides = [1, 1]} : vector<2048x50xi32> to vector<2048x14xi32>
    %concatenate3A = tpu.concatenate %get3A_1, %slice3A in 1 : vector<2048x50xi32>, vector<2048x14xi32> -> vector<2048x64xi32>
    %swap3A = arith.constant 0 : index
    %swap3A_2 = arith.constant 0 : index
    %swap3A_3 = vector.load %arg2[%swap3A, %swap3A_2] : memref<2048x64xi32, #tpu.memory_space<vmem>>, vector<2048x64xi32>
    tpu.vector_store %arg2[%swap3A, %swap3A_2], %concatenate3A {strides = array<i32>} : memref<2048x64xi32, #tpu.memory_space<vmem>>, vector<2048x64xi32>,
    return
  }
  func.func @transform_0(%arg0: i32) -> (i32, i32) {
    %c0_i32 = arith.constant 0 : i32
    %c0_i32_0 = arith.constant 0 : i32
    return %arg0, %c0_i32 : i32, i32
  }
  func.func @transform_1(%arg0: i32) -> (i32, i32) {
    %c0_i32 = arith.constant 0 : i32
    %c0_i32_0 = arith.constant 0 : i32
    return %arg0, %c0_i32 : i32, i32
  }
}

</mosaic_0001>

<sc_bundles>
// kernel: kernel.4.cloned.1.call-start
scs
__scs_entry_jumppad:
0x0: {  	(pc) =	sbr.rel $0x88, $3  }
0x1: {  	(tag) =	ssettag $0x0;
	lr =	simm.s32 $0x1  }
0x2: {  	[smem:$0x3F9F] =	sst lr;
	_ =	strace $0xD0000000  }
0x3: {  	_ = 	snop  }
0x4: {  	_ = 	snop  }
0x5: {  	_ = 	snop  }
0x6: {  	_ = 	snop  }
0x7: {  	_ = 	snop  }
__scs_overlays_trampoline_lowered:
0x8: {  	[smem:$0x3FAE] =	sst s0  }
0x9: {  	[smem:$0x3FAF] =	sst s1  }
0xa: {  	[smem:$0x3FB0] =	sst s2  }
0xb: {  	[smem:$0x3FB1] =	sst s3  }
0xc: {  	[smem:$0x3FB2] =	sst s4  }
0xd: {  	[smem:$0x3FB3] =	sst s5  }
0xe: {  	[smem:$0x3FB4] =	sst s6  }
0xf: {  	[smem:$0x3FB5] =	sst s7  }
0x10: {  	[smem:$0x3FB6] =	sst s8  }
0x11: {  	[smem:$0x3FB7] =	sst s9;
	s0 =	simm.s32 @!p0 $0x0  }
0x12: {  	s1 =	sld [smem:$0x3F9D];
	s0 =	simm.s32 @p0 $0x1  }
0x13: {  	[smem:$0x3FB8] =	sst s0;
	s0 =	simm.s32 @!p1 $0x0  }
0x14: {  	s2 =	sld [smem:$0x3F9C];
	s0 =	simm.s32 @p1 $0x1  }
0x15: {  	[smem:$0x3FB9] =	sst s0;
	s0 =	simm.s32 @!p2 $0x0  }
0x16: {  	s3 =	sld [smem:$0x3FDB];
	s0 =	simm.s32 @p2 $0x1  }
0x17: {  	s4 =	simm.s32 $0x1BF5;
	[smem:$0x3FBB] =	sst s0  }
0x18: {  	s0 =	sld [smem:$0x3F9E];
	_ =	swait.ge [sflag:s4], $0x0  }
0x19: {  	s7 =	sld [smem:$0x3F9F]  }
0x1a: {  	s8 =	sadd.s32 $0xFFFFE003, lr  }
0x1b: {  	s9 =	sadd.s32 $0xFFFFFEF7, lr;
	s5 =	simm.s32 $0xFFFFFFFF;
	p2 =	slt.u32 s8, $0xFFFFF086  }
0x1c: {  	p1 =	slt.u32 s9, $0xF7A;
	s5 =	simm.s32 @!p2 $0x0  }
0x1d: {  	s5 =	simm.s32 @p1 $0x1;
	p0 =	seq.s32 s7, s2  }
0x1e: {  	s7 =	smul.u32 @!p0 $0xF7A, s2;
	p2 =	seq.s32 @!p0 s5, $0x0  }
0x1f: {  	s9 =	smul.u32 $0xF7A, s1;
	s8 =	simm.s32 @!p0 $0x1BF5;
	p2 =	por !p2, p0  }
0x20: {  	[sflag:s8] =	ssyncset.s32 @!p0 $0xFFFFF086;
	s6 =	sadd.s32 @!p0 s3, s7;
	s7 =	simm.s32 @!p0 $0x108  }
0x21: {  	s3 =	sadd.s32 s3, s9;
	s6 =	sadd.s32 @!p0 $0x88, s6;
	s7 =	simm.s32 @p2 $0x1082  }
0x22: {  	[simem:s7], [sflag:s8] =	dma.local @!p0 [hbm:s6], $0xF7A  }
0x23: {  	s9 =	sor.u32 $0xD0000000, s2;
	s6 =	simm.s32 $0x108;
	_ =	swait.ge @!p0 [sflag:s8], $0x0  }
0x24: {  	s3 =	sadd.s32 $0x88, s3;
	s6 =	simm.s32 @!p1 $0x1082;
	[sflag:s4] =	ssyncset.s32 $0xFFFFF086  }
0x25: {  	[simem:s6], [sflag:s4] =	dma.local [hbm:s3], $0xF7A  }
0x26: {  	[smem:$0x3F9F] =	sst s1;
	(tag) =	ssettag s2;
	_ =	strace s9  }
0x27: {  	s1 =	sld [smem:$0x3FAF]  }
0x28: {  	s2 =	sld [smem:$0x3FB0]  }
0x29: {  	s4 =	sld [smem:$0x3FB2]  }
0x2a: {  	p0 =	seq.s32 s5, $0x0;
	s5 =	sld [smem:$0x3FB3]  }
0x2b: {  	s6 =	sld [smem:$0x3FB4]  }
0x2c: {  	s7 =	sld [smem:$0x3FB5]  }
0x2d: {  	s3 =	simm.s32 $0x108;
	s8 =	sld [smem:$0x3FB6]  }
0x2e: {  	s3 =	simm.s32 @!p0 $0x1082;
	s9 =	sld [smem:$0x3FB7]  }
0x2f: {  	lr =	sadd.s32 s0, s3;
	s0 =	sld [smem:$0x3FAE]  }
0x30: {  	s3 =	sld [smem:$0x3FB1]  }
0x31: {  	[smem:$0x3FBA] =	sst s10  }
0x32: {  	s10 =	sld [smem:$0x3FB8];
	_ =	sdelay $0x3  }
0x33: {  	p0 =	seq.s32 s10, $0x1;
	s10 =	sld [smem:$0x3FBA];
	_ =	sdelay $0x3  }
0x34: {  	[smem:$0x3FBA] =	sst s10  }
0x35: {  	s10 =	sld [smem:$0x3FB9];
	_ =	sdelay $0x3  }
0x36: {  	p1 =	seq.s32 s10, $0x1;
	s10 =	sld [smem:$0x3FBA];
	_ =	sdelay $0x3  }
0x37: {  	[smem:$0x3FBA] =	sst s10  }
0x38: {  	s10 =	sld [smem:$0x3FBB]  }
0x39: {  	_ = 	snop;
	(pc) =	sbr.ind lr, $3  }
0x3a: {  	_ = 	snop  }
0x3b: {  	_ = 	snop  }
0x3c: {  	p2 =	seq.s32 s10, $0x1;
	s10 =	sld [smem:$0x3FBA]  }
0x3d: {  	_ =	shalt  }
0x3e: {  	_ =	shalt  }
0x3f: {  	_ =	shalt  }
0x40: {  	_ =	shalt  }
0x41: {  	_ =	shalt  }
0x42: {  	_ =	shalt  }
0x43: {  	_ =	shalt  }
0x44: {  	_ =	shalt  }
0x45: {  	_ =	shalt  }
0x46: {  	_ =	shalt  }
0x47: {  	_ =	shalt  }
0x48: {  	_ =	shalt  }
0x49: {  	_ =	shalt  }
0x4a: {  	_ =	shalt  }
0x4b: {  	_ =	shalt  }
0x4c: {  	_ =	shalt  }
0x4d: {  	_ =	shalt  }
0x4e: {  	_ =	shalt  }
0x4f: {  	_ =	shalt  }
0x50: {  	_ =	shalt  }
0x51: {  	_ =	shalt  }
0x52: {  	_ =	shalt  }
0x53: {  	_ =	shalt  }
0x54: {  	_ =	shalt  }
0x55: {  	_ =	shalt  }
0x56: {  	_ =	shalt  }
0x57: {  	_ =	shalt  }
0x58: {  	_ =	shalt  }
0x59: {  	_ =	shalt  }
0x5a: {  	_ =	shalt  }
0x5b: {  	_ =	shalt  }
0x5c: {  	_ =	shalt  }
0x5d: {  	_ =	shalt  }
0x5e: {  	_ =	shalt  }
0x5f: {  	_ =	shalt  }
0x60: {  	_ =	shalt  }
0x61: {  	_ =	shalt  }
0x62: {  	_ =	shalt  }
0x63: {  	_ =	shalt  }
0x64: {  	_ =	shalt  }
0x65: {  	_ =	shalt  }
0x66: {  	_ =	shalt  }
0x67: {  	_ =	shalt  }
0x68: {  	_ =	shalt  }
0x69: {  	_ =	shalt  }
0x6a: {  	_ =	shalt  }
0x6b: {  	_ =	shalt  }
0x6c: {  	_ =	shalt  }
0x6d: {  	_ =	shalt  }
0x6e: {  	_ =	shalt  }
0x6f: {  	_ =	shalt  }
0x70: {  	_ =	shalt  }
0x71: {  	_ =	shalt  }
0x72: {  	_ =	shalt  }
0x73: {  	_ =	shalt  }
0x74: {  	_ =	shalt  }
0x75: {  	_ =	shalt  }
0x76: {  	_ =	shalt  }
0x77: {  	_ =	shalt  }
0x78: {  	_ =	shalt  }
0x79: {  	_ =	shalt  }
0x7a: {  	_ =	shalt  }
0x7b: {  	_ =	shalt  }
0x7c: {  	_ =	shalt  }
0x7d: {  	_ =	shalt  }
0x7e: {  	_ =	shalt  }
0x7f: {  	_ =	shalt  }
0x80: {  	_ =	shalt  }
0x81: {  	_ =	shalt  }
0x82: {  	_ =	shalt  }
0x83: {  	_ =	shalt  }
0x84: {  	_ =	shalt  }
0x85: {  	_ =	shalt  }
0x86: {  	_ =	shalt  }
0x87: {  	_ =	shalt  }
.Lfunc_end0:
.L_simem_size_0:
called_computation.1_lowered:
.L_overlay_start_0:
0x88: {  	s2 =	sld [smem:$0x3FD9]  }
0x89: {  	s3 =	sld [smem:$0x3FFE];
	_ =	sdelay $0x1  }
0x8a: {  	s1 =	srdreg.scid  }
0x8b: {  	s0 =	sand.u32 $0x1, s1  }
0x8c: {  	s17 =	sshll.u32 s0, $0xA;
	s2 =	sadd.s32 s3, s2  }
0x8d: {  	s2 =	sadd.s32 s2, s17  }
0x8e: {  	[smem:$0x3FC6] =	sst s2  }
0x8f: {  	_ = 	snop  }
0x90: {  	s2 =	sld [smem:$0x3FD0];
	(tm) =	ssettm $0x1  }
0x91: {  	s18 =	sld [smem:$0x3FFB];
	_ =	sdelay $0x3  }
0x92: {  	_ =	strace s18  }
0x93: {  	s3 =	sld [smem:$0x3FFC];
	_ =	sdelay $0x3  }
0x94: {  	_ =	strace s3  }
0x95: {  	s3 =	sld [smem:$0x3FFD];
	_ =	sdelay $0x3  }
0x96: {  	_ =	strace s3  }
0x97: {  	_ =	strace $0x8FFFFFFF  }
0x98: {  	s19 =	sld [smem:$0x3FDB];
	_ =	sdelay $0x1  }
0x99: {  	s4 =	simm.s32 $_scs_section_size  }
0x9a: {  	s5 =	simm.s32 $_size__tile_overlayer_lowered;
	s6 =	simm.s32 $_tile_overlayer_lowered  }
0x9b: {  	s22 =	simm.s32 $0x1BFF;
	s21 =	sshll.u32 s6, $0x1;
	s3 =	sadd.s32 s4, s19  }
0x9c: {  	s7 =	simm.s32 $0x0;
	s20 =	sshll.u32 s5, $0x1;
	s5 =	sadd.s32 s21, s3  }
0x9d: {  	[timem:s7], [sflag:s22] =	dma.local [hbm:s5], s20  }
0x9e: {  	_ =	swait.ge [sflag:s22], s20  }
0x9f: {  	s4 =	ssub.s32 $0x0, s20;
	[sflag:s22] =	ssyncset.done $0x0  }
0xa0: {  	[sflag:s22] =	ssyncadd.s32 s4;
	_ =	sdelay $0x1  }
0xa1: {  	s23 =	simm.s32 $0x1B8B  }
0xa2: {  	_ =	swait.ge [sflag:s23], $0x1  }
0xa3: {  	[sflag:s23] =	ssyncset.done $0x0  }
0xa4: {  	s25 =	simm.s32 $0x1B8E;
	s24 =	sld [smem:$0x3FFE];
	[sflag:s23] =	ssyncadd.s32 $0xFFFFFFFF  }
0xa5: {  	s26 =	simm.s32 $execute0_lowered;
	[smem:$0x3FD2] =	sst s25  }
0xa6: {  	s5 =	sshll.u32 s26, $0x1;
	_ =	strace $0x80000046;
	[dreg:$0x1] =	wrdreg $0xFFFFFFFF  }
0xa7: {  	s28 =	simm.s32 $_size_execute0_lowered;
	s3 =	sadd.s32 s3, s5;
	[dreg:$0x0] =	wrdreg $0x0  }
0xa8: {  	s5 =	sshll.u32 s28, $0x1;
	[dreg:$0x2] =	wrdreg s3  }
0xa9: {  	[dreg:$0x3] =	wrdreg s5  }
0xaa: {  	[dreg:$0x4] =	wrdreg $0xC0  }
0xab: {  	_ =	task [dreg:s7], $0x5FFFF  }
0xac: {  	[dreg:$0x1] =	wrdreg $0xFFFFFFFF  }
0xad: {  	[dreg:$0x0] =	wrdreg $0x60  }
0xae: {  	[dreg:$0x2] =	wrdreg s24  }
0xaf: {  	[dreg:$0x3] =	wrdreg s2  }
0xb0: {  	[dreg:$0x4] =	wrdreg $0x9  }
0xb1: {  	_ =	task.clear_ibuf [dreg:s7], $0x5FFFF;
	_ =	strace $0x90000046  }
0xb2: {  	s29 =	simm.s32 $0x9;
	_ =	strace $0x80000048  }
0xb3: {  	_ =	swait.ge [sflag:s29], $0x1  }
0xb4: {  	[sflag:s29] =	ssyncadd.s32 $0xFFFFFFFF  }
0xb5: {  	_ =	strace $0x90000048  }
0xb6: {  	_ =	sfence  }
0xb7: {  	s30 =	sld [smem:$0x0];
	_ =	sdelay $0x2  }
0xb8: {  	s31 =	sshll.u32 s1, $0xD;
	s1 =	sshrl.u32 s1, $0x2  }
0xb9: {  	s3 =	sand.u32 $0x4000, s31;
	s1 =	sadd.s32 s1, s30  }
0xba: {  	s0 =	sor.u32 s3, s0;
	s1 =	sshll.u32 s1, $0x11  }
0xbb: {  	s0 =	sor.u32 s1, s0  }
0xbc: {  	s0 =	sadd.s32 $0x8F2B, s0  }
0xbd: {  	[sflag:s0] =	ssyncadd.remote.s32 $0x1  }
0xbe: {  	_ =	sfence.sel $0xFFFF  }
0xbf: {  	[dreg:$0x0] =	wrdreg $0xFFFFFFFF;
	(pc) =	sbr.abs _section_cstart, $3  }
0xc0: {  	[dreg:$0x1] =	wrdreg $0xFFFFFFFF  }
0xc1: {  	_ =	task.clear_ibuf [dreg:s7], $0x2FFFF;
	_ =	strace $0x9FFFFFFF  }
0xc2: {  	(tm) =	ssettm $0x7FFFFFFF  }
0xc3: {  	_ =	shalt  }
tec
execute0_lowered:
.L_overlay_start_1:
0x0: {  	(tag) =	ssettag $0x1  }
0x1: {  	s0 =	rddreg [dreg:$0x0]  }
0x2: {  	s2 =	rddreg [dreg:$0x1];
	s1 =	simm.s32 $0x0  }
0x3: {  	s4 =	srdreg.scid;
	s9 =	stileid.u32;
	s11 =	simm.s32 $0x1  }
0x4: {  	s12 =	simm.s32 $0x4;
	s13 =	simm.s32 $0x5;
	s14 =	simm.s32 $0x0  }
0x5: {  	[smem:$0x7FF] =	sst s1;
	s3 =	sadd.s32 $0xF42E00, s0;
	s5 =	sand.u32 $0x1, s4  }
0x6: {  	s0 =	sadd.s32 $0xA00, s0;
	s7 =	sshll.u32 s9, $0xD;
	s9 =	smul.u32 $0x64000, s9  }
0x7: {  	_ =	strace $0x80000047;
	s4 =	ssub.s32 $0x2, s5;
	s8 =	sshll.u32 s5, $0xC  }
0x8: {  	s10 =	smul.u32 $0x32000, s5;
	s6 =	sshrl.u32 s4, $0x1;
	s29 =	sor.u32 s8, s7  }
0x9: {  	s6 =	ssub.s32 s4, s6;
	s4 =	sadd.s32 s0, s29;
	s0 =	sadd.s32 s7, s0  }
0xa: {  	s2 =	sadd.s32 s9, s2;
	s30 =	sadd.s32 $0x40, s4;
	s0 =	sadd.s32 s8, s0  }
0xb: {  	s31 =	smax.u32 s6, $0x1;
	s8 =	sadd.s32 s10, s2;
	[dreg:$0x3] =	wrdreg s30  }
0xc: {  	s10 =	simm.s32 $0x38;
	[dreg:$0x4] =	wrdreg s31;
	s7 =	sadd.s32 $0x80, s0  }
.LBB2_1:
0xd: {  	[tilespmem:s1], [sflag:$0x2] =	stream.linear.gather [hbm4b:s4+s1], $0x200, $0x38;
	[tilespmem:$0xE400] =	vst v63  }
0xe: {  	s0 =	rddreg [dreg:$0x3];
	s2 =	simm.s32 $0x200  }
0xf: {  	[tilespmem:s2], [sflag:$0x3] =	stream.linear.gather [hbm4b:s0+s1], $0x200, $0x38;
	[tilespmem:$0xE400] =	vst v63  }
0x10: {  	s0 =	sand.u32 $0x1, s1  }
0x11: {  	s16 =	sor.u32 $0x2, s0  }
0x12: {  	_ =	swait.ge [sflag:s16], $0x200  }
0x13: {  	p0 =	por $0x1, $0x1;
	[sflag:s16] =	ssyncset.done $0x0  }
0x14: {  	s25 =	smul.u32 $0x1C000, s0;
	s9 =	sor.u32 @!p0 $0x4, s0;
	[sflag:s16] =	ssyncadd.s32 $0xFFFFFE00  }
0x15: {  	_ =	swait.ge @!p0 [sflag:s9], $0x6400  }
0x16: {  	s2 =	sshrl.u32 s25, $0x2;
	[sflag:s9] =	ssyncset.done @!p0 $0x0  }
0x17: {  	s20 =	sshll.u32 s0, $0x9;
	s26 =	sor.u32 $0x400, s2;
	[sflag:s9] =	ssyncadd.s32 @!p0 $0xFFFF9C00  }
0x18: {  	[tilespmem:s26], [sflag:$0x1] =	stream.indirect.gather [hbm4b:s3+s10], $0x40, s20, s10, $0xb8;
	[tilespmem:$0xE400] =	vst v63  }
0x19: {  	s17 =	sadd.s32 $0x40, s20;
	s15 =	sadd.s32 $0x1200, s2  }
0x1a: {  	[tilespmem:s15], [sflag:$0x1] =	stream.indirect.gather [hbm4b:s3+s10], $0x40, s17, s10, $0xb8;
	[tilespmem:$0xE400] =	vst v63  }
0x1b: {  	s18 =	sadd.s32 $0x80, s20;
	s28 =	sadd.s32 $0x2000, s2  }
0x1c: {  	[tilespmem:s28], [sflag:$0x1] =	stream.indirect.gather [hbm4b:s3+s10], $0x40, s18, s10, $0xb8;
	[tilespmem:$0xE400] =	vst v63  }
0x1d: {  	s19 =	sadd.s32 $0xC0, s20;
	s29 =	sadd.s32 $0x2E00, s2  }
0x1e: {  	[tilespmem:s29], [sflag:$0x1] =	stream.indirect.gather [hbm4b:s3+s10], $0x40, s19, s10, $0xb8;
	[tilespmem:$0xE400] =	vst v63  }
0x1f: {  	s21 =	sadd.s32 $0x100, s20;
	s30 =	sadd.s32 $0x3C00, s2  }
0x20: {  	[tilespmem:s30], [sflag:$0x1] =	stream.indirect.gather [hbm4b:s3+s10], $0x40, s21, s10, $0xb8;
	[tilespmem:$0xE400] =	vst v63  }
0x21: {  	s22 =	sadd.s32 $0x140, s20;
	s31 =	sadd.s32 $0x4A00, s2  }
0x22: {  	[tilespmem:s31], [sflag:$0x1] =	stream.indirect.gather [hbm4b:s3+s10], $0x40, s22, s10, $0xb8;
	[tilespmem:$0xE400] =	vst v63  }
0x23: {  	s23 =	sadd.s32 $0x180, s20;
	s5 =	sadd.s32 $0x5800, s2  }
0x24: {  	[tilespmem:s5], [sflag:$0x1] =	stream.indirect.gather [hbm4b:s3+s10], $0x40, s23, s10, $0xb8;
	[tilespmem:$0xE400] =	vst v63  }
0x25: {  	s6 =	sadd.s32 $0x1C0, s20;
	s2 =	sadd.s32 $0x6600, s2  }
0x26: {  	[tilespmem:s2], [sflag:$0x1] =	stream.indirect.gather [hbm4b:s3+s10], $0x40, s6, s10, $0xb8;
	[tilespmem:$0xE400] =	vst v63  }
0x27: {  	_ =	swait.ge [sflag:s11], $0xE00  }
0x28: {  	[sflag:s11] =	ssyncset.done $0x0  }
0x29: {  	[sflag:s11] =	ssyncadd.s32 $0xFFFFF200  }
0x2a: {  	_ =	swait.ge [sflag:s11], $0xE00  }
0x2b: {  	[sflag:s11] =	ssyncset.done $0x0  }
0x2c: {  	[sflag:s11] =	ssyncadd.s32 $0xFFFFF200  }
0x2d: {  	_ =	swait.ge [sflag:s11], $0xE00  }
0x2e: {  	[sflag:s11] =	ssyncset.done $0x0  }
0x2f: {  	[sflag:s11] =	ssyncadd.s32 $0xFFFFF200  }
0x30: {  	_ =	swait.ge [sflag:s11], $0xE00  }
0x31: {  	[sflag:s11] =	ssyncset.done $0x0  }
0x32: {  	[sflag:s11] =	ssyncadd.s32 $0xFFFFF200  }
0x33: {  	_ =	swait.ge [sflag:s11], $0xE00  }
0x34: {  	[sflag:s11] =	ssyncset.done $0x0  }
0x35: {  	[sflag:s11] =	ssyncadd.s32 $0xFFFFF200  }
0x36: {  	_ =	swait.ge [sflag:s11], $0xE00  }
0x37: {  	[sflag:s11] =	ssyncset.done $0x0  }
0x38: {  	[sflag:s11] =	ssyncadd.s32 $0xFFFFF200  }
0x39: {  	_ =	swait.ge [sflag:s11], $0xE00  }
0x3a: {  	[sflag:s11] =	ssyncset.done $0x0  }
0x3b: {  	[sflag:s11] =	ssyncadd.s32 $0xFFFFF200  }
0x3c: {  	_ =	swait.ge [sflag:s11], $0xE00  }
0x3d: {  	[sflag:s11] =	ssyncset.done $0x0  }
0x3e: {  	s0 =	sor.u32 $0x4, s0;
	[sflag:s11] =	ssyncadd.s32 $0xFFFFF200  }
0x3f: {  	[hbm4b:s8+s1] =	stream.linear.scatter [tilespmem:s26], [sflag:s0], $0xC80, $0x38;
	[tilespmem:$0xE400] =	vst v63  }
0x40: {  	s23 =	sadd.s32 $0x190, s8  }
0x41: {  	[hbm4b:s23+s1] =	stream.linear.scatter [tilespmem:s15], [sflag:s0], $0xC80, $0x38;
	[tilespmem:$0xE400] =	vst v63  }
0x42: {  	s24 =	sadd.s32 $0x320, s8  }
0x43: {  	[hbm4b:s24+s1] =	stream.linear.scatter [tilespmem:s28], [sflag:s0], $0xC80, $0x38;
	[tilespmem:$0xE400] =	vst v63  }
0x44: {  	s25 =	sadd.s32 $0x4B0, s8  }
0x45: {  	[hbm4b:s25+s1] =	stream.linear.scatter [tilespmem:s29], [sflag:s0], $0xC80, $0x38;
	[tilespmem:$0xE400] =	vst v63  }
0x46: {  	p1 =	por $0x0, $0x0;
	s26 =	sadd.s32 $0x640, s8  }
0x47: {  	[hbm4b:s26+s1] =	stream.linear.scatter [tilespmem:s30], [sflag:s0], $0xC80, $0x38;
	[tilespmem:$0xE400] =	vst v63  }
0x48: {  	s17 =	sadd.s32 $0x40, s7;
	s15 =	simm.s32 $0x1;
	s28 =	sadd.s32 $0x7D0, s8  }
0x49: {  	[hbm4b:s28+s1] =	stream.linear.scatter [tilespmem:s31], [sflag:s0], $0xC80, $0x38;
	[tilespmem:$0xE400] =	vst v63  }
0x4a: {  	s18 =	sadd.s32 $0xC80, s8;
	s19 =	sand.u32 $0x1, s15;
	s29 =	sadd.s32 $0x960, s8  }
0x4b: {  	[hbm4b:s29+s1] =	stream.linear.scatter [tilespmem:s5], [sflag:s0], $0xC80, $0x38;
	[tilespmem:$0xE400] =	vst v63  }
0x4c: {  	s22 =	simm.s32 $0x2;
	s30 =	smul.u32 $0x1C000, s19;
	s31 =	sadd.s32 $0xAF0, s8  }
0x4d: {  	[hbm4b:s31+s1] =	stream.linear.scatter [tilespmem:s2], [sflag:s0], $0xC80, $0x38;
	[tilespmem:$0xE400] =	vst v63  }
0x4e: {  	s23 =	smov.u32 s7;
	s21 =	sshrl.u32 s30, $0x2;
	s0 =	simm.s32 @!p1 $0x0  }
.LBB2_2:
0x4f: {  	[tilespmem:s20], [sflag:s16] =	stream.linear.gather @!p1 [hbm4b:s23+s0], $0x200, $0x38;
	[tilespmem:$0xE400] =	vst v63  }
0x50: {  	s24 =	smov.u32 s22;
	s23 =	smov.u32 s17  }
0x51: {  	s22 =	sadd.s32 $0x1, s22;
	s16 =	sor.u32 $0x2, s19;
	s25 =	sand.u32 $0x1, s24  }
0x52: {  	p0 =	sne.s32 s22, $0x40;
	s0 =	smul.u32 $0x1C000, s25;
	_ =	swait.ge [sflag:s16], $0x200  }
0x53: {  	p1 =	slt.u32 s15, $0x2;
	[sflag:s16] =	ssyncset.done $0x0  }
0x54: {  	s5 =	sshrl.u32 s0, $0x2;
	[sflag:s16] =	ssyncadd.s32 $0xFFFFFE00;
	s0 =	sor.u32 @!p1 $0x4, s19  }
0x55: {  	_ =	swait.ge @!p1 [sflag:s0], $0x6400  }
0x56: {  	[sflag:s0] =	ssyncset.done @!p1 $0x0  }
0x57: {  	s20 =	sshll.u32 s19, $0x9;
	s26 =	sor.u32 $0x400, s21;
	[sflag:s0] =	ssyncadd.s32 @!p1 $0xFFFF9C00  }
0x58: {  	[tilespmem:s26], [sflag:$0x1] =	stream.indirect.gather [hbm4b:s3+s10], $0x40, s20, s10, $0xb8;
	[tilespmem:$0xE400] =	vst v63  }
0x59: {  	s28 =	sadd.s32 $0x1200, s21;
	s0 =	sadd.s32 $0x40, s20  }
0x5a: {  	[tilespmem:s28], [sflag:$0x1] =	stream.indirect.gather [hbm4b:s3+s10], $0x40, s0, s10, $0xb8;
	[tilespmem:$0xE400] =	vst v63  }
0x5b: {  	s29 =	sadd.s32 $0x2000, s21;
	s0 =	sadd.s32 $0x80, s20  }
0x5c: {  	[tilespmem:s29], [sflag:$0x1] =	stream.indirect.gather [hbm4b:s3+s10], $0x40, s0, s10, $0xb8;
	[tilespmem:$0xE400] =	vst v63  }
0x5d: {  	s30 =	sadd.s32 $0x2E00, s21;
	s0 =	sadd.s32 $0xC0, s20  }
0x5e: {  	[tilespmem:s30], [sflag:$0x1] =	stream.indirect.gather [hbm4b:s3+s10], $0x40, s0, s10, $0xb8;
	[tilespmem:$0xE400] =	vst v63  }
0x5f: {  	s31 =	sadd.s32 $0x3C00, s21;
	s0 =	sadd.s32 $0x100, s20  }
0x60: {  	[tilespmem:s31], [sflag:$0x1] =	stream.indirect.gather [hbm4b:s3+s10], $0x40, s0, s10, $0xb8;
	[tilespmem:$0xE400] =	vst v63  }
0x61: {  	s2 =	sadd.s32 $0x140, s20;
	s0 =	sadd.s32 $0x4A00, s21  }
0x62: {  	[tilespmem:s0], [sflag:$0x1] =	stream.indirect.gather [hbm4b:s3+s10], $0x40, s2, s10, $0xb8;
	[tilespmem:$0xE400] =	vst v63  }
0x63: {  	s9 =	sadd.s32 $0x5800, s21;
	s2 =	sadd.s32 $0x180, s20  }
0x64: {  	[tilespmem:s9], [sflag:$0x1] =	stream.indirect.gather [hbm4b:s3+s10], $0x40, s2, s10, $0xb8;
	[tilespmem:$0xE400] =	vst v63  }
0x65: {  	s6 =	sadd.s32 $0x1C0, s20;
	s2 =	sadd.s32 $0x6600, s21;
	s21 =	smov.u32 s5  }
0x66: {  	[tilespmem:s2], [sflag:$0x1] =	stream.indirect.gather [hbm4b:s3+s10], $0x40, s6, s10, $0xb8;
	[tilespmem:$0xE400] =	vst v63  }
0x67: {  	_ =	swait.ge [sflag:s11], $0xE00  }
0x68: {  	[sflag:s11] =	ssyncset.done $0x0  }
0x69: {  	[sflag:s11] =	ssyncadd.s32 $0xFFFFF200  }
0x6a: {  	_ =	swait.ge [sflag:s11], $0xE00  }
0x6b: {  	[sflag:s11] =	ssyncset.done $0x0  }
0x6c: {  	[sflag:s11] =	ssyncadd.s32 $0xFFFFF200  }
0x6d: {  	_ =	swait.ge [sflag:s11], $0xE00  }
0x6e: {  	[sflag:s11] =	ssyncset.done $0x0  }
0x6f: {  	[sflag:s11] =	ssyncadd.s32 $0xFFFFF200  }
0x70: {  	_ =	swait.ge [sflag:s11], $0xE00  }
0x71: {  	[sflag:s11] =	ssyncset.done $0x0  }
0x72: {  	[sflag:s11] =	ssyncadd.s32 $0xFFFFF200  }
0x73: {  	_ =	swait.ge [sflag:s11], $0xE00  }
0x74: {  	[sflag:s11] =	ssyncset.done $0x0  }
0x75: {  	[sflag:s11] =	ssyncadd.s32 $0xFFFFF200  }
0x76: {  	_ =	swait.ge [sflag:s11], $0xE00  }
0x77: {  	[sflag:s11] =	ssyncset.done $0x0  }
0x78: {  	[sflag:s11] =	ssyncadd.s32 $0xFFFFF200  }
0x79: {  	_ =	swait.ge [sflag:s11], $0xE00  }
0x7a: {  	[sflag:s11] =	ssyncset.done $0x0  }
0x7b: {  	[sflag:s11] =	ssyncadd.s32 $0xFFFFF200  }
0x7c: {  	_ =	swait.ge [sflag:s11], $0xE00  }
0x7d: {  	[sflag:s11] =	ssyncset.done $0x0  }
0x7e: {  	s5 =	sor.u32 $0x4, s19;
	s19 =	smov.u32 s25;
	[sflag:s11] =	ssyncadd.s32 $0xFFFFF200  }
0x7f: {  	[hbm4b:s18+s1] =	stream.linear.scatter [tilespmem:s26], [sflag:s5], $0xC80, $0x38;
	[tilespmem:$0xE400] =	vst v63  }
0x80: {  	s6 =	sadd.s32 $0x190, s18  }
0x81: {  	[hbm4b:s6+s1] =	stream.linear.scatter [tilespmem:s28], [sflag:s5], $0xC80, $0x38;
	[tilespmem:$0xE400] =	vst v63  }
0x82: {  	s6 =	sadd.s32 $0x320, s18  }
0x83: {  	[hbm4b:s6+s1] =	stream.linear.scatter [tilespmem:s29], [sflag:s5], $0xC80, $0x38;
	[tilespmem:$0xE400] =	vst v63  }
0x84: {  	s6 =	sadd.s32 $0x4B0, s18  }
0x85: {  	[hbm4b:s6+s1] =	stream.linear.scatter [tilespmem:s30], [sflag:s5], $0xC80, $0x38;
	[tilespmem:$0xE400] =	vst v63  }
0x86: {  	s6 =	sadd.s32 $0x640, s18  }
0x87: {  	[hbm4b:s6+s1] =	stream.linear.scatter [tilespmem:s31], [sflag:s5], $0xC80, $0x38;
	[tilespmem:$0xE400] =	vst v63  }
0x88: {  	s6 =	sadd.s32 $0x7D0, s18  }
0x89: {  	[hbm4b:s6+s1] =	stream.linear.scatter [tilespmem:s0], [sflag:s5], $0xC80, $0x38;
	[tilespmem:$0xE400] =	vst v63  }
.Ltmp0:
0x8a: {  	s0 =	sadd.s32 $0x960, s18;
	(pc) =	sbr.rel @p0 .LBB2_2-.Ltmp0, $4  }
0x8b: {  	[hbm4b:s0+s1] =	stream.linear.scatter [tilespmem:s9], [sflag:s5], $0xC80, $0x38;
	[tilespmem:$0xE400] =	vst v63  }
0x8c: {  	p1 =	sgt.u32 s15, $0x3D;
	s15 =	smov.u32 s24;
	s0 =	sadd.s32 $0xAF0, s18  }
0x8d: {  	[hbm4b:s0+s1] =	stream.linear.scatter [tilespmem:s2], [sflag:s5], $0xC80, $0x38;
	[tilespmem:$0xE400] =	vst v63  }
0x8e: {  	s17 =	sadd.s32 $0x40, s17;
	s18 =	sadd.s32 $0xC80, s18;
	s0 =	simm.s32 @!p1 $0x0  }
0x8f: {  	[tilespmem:s20], [sflag:s16] =	stream.linear.gather @!p1 [hbm4b:s23+s0], $0x200, $0x38;
	[tilespmem:$0xE400] =	vst v63  }
0x90: {  	s0 =	sor.u32 $0x2, s19  }
0x91: {  	_ =	swait.ge [sflag:s0], $0x200  }
0x92: {  	p0 =	slt.u32 s15, $0x2;
	[sflag:s0] =	ssyncset.done $0x0  }
0x93: {  	s5 =	sor.u32 @!p0 $0x4, s19;
	[sflag:s0] =	ssyncadd.s32 $0xFFFFFE00  }
0x94: {  	_ =	swait.ge @!p0 [sflag:s5], $0x6400  }
0x95: {  	[sflag:s5] =	ssyncset.done @!p0 $0x0  }
0x96: {  	s2 =	sshll.u32 s19, $0x9;
	s31 =	sor.u32 $0x400, s21;
	[sflag:s5] =	ssyncadd.s32 @!p0 $0xFFFF9C00  }
0x97: {  	[tilespmem:s31], [sflag:$0x1] =	stream.indirect.gather [hbm4b:s3+s10], $0x40, s2, s10, $0xb8;
	[tilespmem:$0xE400] =	vst v63  }
0x98: {  	s6 =	sadd.s32 $0x1200, s21;
	s9 =	sadd.s32 $0x40, s2  }
0x99: {  	[tilespmem:s6], [sflag:$0x1] =	stream.indirect.gather [hbm4b:s3+s10], $0x40, s9, s10, $0xb8;
	[tilespmem:$0xE400] =	vst v63  }
0x9a: {  	s25 =	sadd.s32 $0x80, s2;
	s9 =	sadd.s32 $0x2000, s21  }
0x9b: {  	[tilespmem:s9], [sflag:$0x1] =	stream.indirect.gather [hbm4b:s3+s10], $0x40, s25, s10, $0xb8;
	[tilespmem:$0xE400] =	vst v63  }
0x9c: {  	s16 =	sadd.s32 $0x2E00, s21;
	s26 =	sadd.s32 $0xC0, s2  }
0x9d: {  	[tilespmem:s16], [sflag:$0x1] =	stream.indirect.gather [hbm4b:s3+s10], $0x40, s26, s10, $0xb8;
	[tilespmem:$0xE400] =	vst v63  }
0x9e: {  	s28 =	sadd.s32 $0x3C00, s21;
	s22 =	sadd.s32 $0x100, s2  }
0x9f: {  	[tilespmem:s28], [sflag:$0x1] =	stream.indirect.gather [hbm4b:s3+s10], $0x40, s22, s10, $0xb8;
	[tilespmem:$0xE400] =	vst v63  }
0xa0: {  	s29 =	sadd.s32 $0x140, s2;
	s22 =	sadd.s32 $0x4A00, s21  }
0xa1: {  	[tilespmem:s22], [sflag:$0x1] =	stream.indirect.gather [hbm4b:s3+s10], $0x40, s29, s10, $0xb8;
	[tilespmem:$0xE400] =	vst v63  }
0xa2: {  	s23 =	sadd.s32 $0x5800, s21;
	s24 =	sadd.s32 $0x180, s2  }
0xa3: {  	[tilespmem:s23], [sflag:$0x1] =	stream.indirect.gather [hbm4b:s3+s10], $0x40, s24, s10, $0xb8;
	[tilespmem:$0xE400] =	vst v63  }
0xa4: {  	s30 =	sadd.s32 $0x1C0, s2;
	s21 =	sadd.s32 $0x6600, s21  }
0xa5: {  	[tilespmem:s21], [sflag:$0x1] =	stream.indirect.gather [hbm4b:s3+s10], $0x40, s30, s10, $0xb8;
	[tilespmem:$0xE400] =	vst v63  }
0xa6: {  	_ =	swait.ge [sflag:s11], $0xE00  }
0xa7: {  	[sflag:s11] =	ssyncset.done $0x0  }
0xa8: {  	[sflag:s11] =	ssyncadd.s32 $0xFFFFF200  }
0xa9: {  	_ =	swait.ge [sflag:s11], $0xE00  }
0xaa: {  	[sflag:s11] =	ssyncset.done $0x0  }
0xab: {  	[sflag:s11] =	ssyncadd.s32 $0xFFFFF200  }
0xac: {  	_ =	swait.ge [sflag:s11], $0xE00  }
0xad: {  	[sflag:s11] =	ssyncset.done $0x0  }
0xae: {  	[sflag:s11] =	ssyncadd.s32 $0xFFFFF200  }
0xaf: {  	_ =	swait.ge [sflag:s11], $0xE00  }
0xb0: {  	[sflag:s11] =	ssyncset.done $0x0  }
0xb1: {  	[sflag:s11] =	ssyncadd.s32 $0xFFFFF200  }
0xb2: {  	_ =	swait.ge [sflag:s11], $0xE00  }
0xb3: {  	[sflag:s11] =	ssyncset.done $0x0  }
0xb4: {  	[sflag:s11] =	ssyncadd.s32 $0xFFFFF200  }
0xb5: {  	_ =	swait.ge [sflag:s11], $0xE00  }
0xb6: {  	[sflag:s11] =	ssyncset.done $0x0  }
0xb7: {  	[sflag:s11] =	ssyncadd.s32 $0xFFFFF200  }
0xb8: {  	_ =	swait.ge [sflag:s11], $0xE00  }
0xb9: {  	[sflag:s11] =	ssyncset.done $0x0  }
0xba: {  	[sflag:s11] =	ssyncadd.s32 $0xFFFFF200  }
0xbb: {  	_ =	swait.ge [sflag:s11], $0xE00  }
0xbc: {  	[sflag:s11] =	ssyncset.done $0x0  }
0xbd: {  	s19 =	sor.u32 $0x4, s19;
	[sflag:s11] =	ssyncadd.s32 $0xFFFFF200  }
0xbe: {  	[hbm4b:s18+s1] =	stream.linear.scatter [tilespmem:s31], [sflag:s19], $0xC80, $0x38;
	[tilespmem:$0xE400] =	vst v63  }
0xbf: {  	s31 =	sadd.s32 $0x190, s18  }
0xc0: {  	[hbm4b:s31+s1] =	stream.linear.scatter [tilespmem:s6], [sflag:s19], $0xC80, $0x38;
	[tilespmem:$0xE400] =	vst v63  }
0xc1: {  	s24 =	sadd.s32 $0x320, s18  }
0xc2: {  	[hbm4b:s24+s1] =	stream.linear.scatter [tilespmem:s9], [sflag:s19], $0xC80, $0x38;
	[tilespmem:$0xE400] =	vst v63  }
0xc3: {  	s25 =	sadd.s32 $0x4B0, s18  }
0xc4: {  	[hbm4b:s25+s1] =	stream.linear.scatter [tilespmem:s16], [sflag:s19], $0xC80, $0x38;
	[tilespmem:$0xE400] =	vst v63  }
0xc5: {  	s26 =	sadd.s32 $0x640, s18  }
0xc6: {  	[hbm4b:s26+s1] =	stream.linear.scatter [tilespmem:s28], [sflag:s19], $0xC80, $0x38;
	[tilespmem:$0xE400] =	vst v63  }
0xc7: {  	s28 =	sadd.s32 $0x7D0, s18  }
0xc8: {  	[hbm4b:s28+s1] =	stream.linear.scatter [tilespmem:s22], [sflag:s19], $0xC80, $0x38;
	[tilespmem:$0xE400] =	vst v63  }
0xc9: {  	s29 =	sadd.s32 $0x960, s18  }
0xca: {  	[hbm4b:s29+s1] =	stream.linear.scatter [tilespmem:s23], [sflag:s19], $0xC80, $0x38;
	[tilespmem:$0xE400] =	vst v63  }
0xcb: {  	p0 =	sgt.u32 s15, $0x3D;
	s30 =	sadd.s32 $0xAF0, s18  }
0xcc: {  	[hbm4b:s30+s1] =	stream.linear.scatter [tilespmem:s21], [sflag:s19], $0xC80, $0x38;
	[tilespmem:$0xE400] =	vst v63  }
0xcd: {  	s5 =	simm.s32 @!p0 $0x0  }
0xce: {  	[tilespmem:s2], [sflag:s0] =	stream.linear.gather @!p0 [hbm4b:s17+s5], $0x200, $0x38;
	[tilespmem:$0xE400] =	vst v63  }
0xcf: {  	_ =	swait.ge [sflag:s12], $0x6400  }
0xd0: {  	[sflag:s12] =	ssyncset.done $0x0  }
0xd1: {  	[sflag:s12] =	ssyncadd.s32 $0xFFFF9C00  }
0xd2: {  	_ =	swait.ge [sflag:s13], $0x6400  }
0xd3: {  	s14 =	sadd.s32 $0x1, s14;
	s31 =	rddreg [dreg:$0x4]  }
0xd4: {  	p0 =	sne.s32 s14, s31  }
.Ltmp1:
0xd5: {  	_ = 	snop;
	(pc) =	sbr.rel @p0 .LBB2_1-.Ltmp1, $3  }
0xd6: {  	_ =	sdelay $0x1  }
0xd7: {  	[sflag:s13] =	ssyncset.done $0x0  }
0xd8: {  	[sflag:s13] =	ssyncadd.s32 $0xFFFF9C00  }
0xd9: {  	_ =	sfence.sel $0x180000  }
0xda: {  	[bflag:$0x0] =	sbarrier.arrive $0xFFFF  }
0xdb: {  	_ =	strace $0x90000047  }
0xdc: {  	s0 =	stileid.u32;
	[bflag:$0x2] =	sbarrier.arrive $0xFFFF  }
0xdd: {  	p0 =	sne.s32 s0, $0x0;
	s0 =	rddreg [dreg:$0x2]  }
0xde: {  	s0 =	sadd.s32 @!p0 $0x100000, s0  }
0xdf: {  	[sflag:s0] =	ssyncadd.tile.s32 @!p0 $0x1;
	_ =	shalt  }
.Lfunc_end2:
_tile_overlayer_lowered:
.L_overlay_start_2:
0xe0: {  	(tag) =	ssettag $0x2  }
0xe1: {  	s0 =	rddreg [dreg:$0x0];
	s2 =	stileid.u32  }
0xe2: {  	s1 =	rddreg [dreg:$0x1];
	p0 =	sne.s32 s2, $0x0  }
0xe3: {  	s3 =	rddreg [dreg:$0x2];
	[bflag:$0x3] =	sbarrier.arrive $0xFFFF;
	s2 =	simm.s32 @!p0 $0x1C06  }
0xe4: {  	[timem:s3], [sflag:s2] =	dma.local @!p0 [hbm:s0], s1  }
0xe5: {  	s0 =	simm.s32 @!p0 $0x6  }
0xe6: {  	_ =	swait.ge @!p0 [sflag:s0], s1  }
0xe7: {  	s1 =	ssub.s32 @!p0 $0x0, s1;
	[sflag:s0] =	ssyncset.done @!p0 $0x0  }
0xe8: {  	[sflag:s0] =	ssyncadd.s32 @!p0 s1  }
0xe9: {  	[bflag:$0x3] =	sbarrier.arrive $0xFFFF  }
0xea: {  	_ =	shalt  }

// kernel: sparse-core-data-format-call.cloned.1.call-start
scs
called_computation_lowered:
.L_overlay_start_0:
0x0: {  	s2 =	sld [smem:$0x3FD9]  }
0x1: {  	s3 =	sld [smem:$0x3FFE];
	_ =	sdelay $0x1  }
0x2: {  	s1 =	srdreg.scid  }
0x3: {  	s0 =	sand.u32 $0x1, s1  }
0x4: {  	s18 =	sshll.u32 s0, $0xA;
	s2 =	sadd.s32 s3, s2  }
0x5: {  	s2 =	sadd.s32 s2, s18  }
0x6: {  	[smem:$0x3FC6] =	sst s2  }
0x7: {  	_ = 	snop  }
0x8: {  	s2 =	sld [smem:$0x3FD0];
	(tm) =	ssettm $0x1  }
0x9: {  	s19 =	sld [smem:$0x3FFB];
	_ =	sdelay $0x3  }
0xa: {  	_ =	strace s19  }
0xb: {  	s3 =	sld [smem:$0x3FFC];
	_ =	sdelay $0x3  }
0xc: {  	_ =	strace s3  }
0xd: {  	s3 =	sld [smem:$0x3FFD];
	_ =	sdelay $0x3  }
0xe: {  	_ =	strace s3  }
0xf: {  	_ =	strace $0x8FFFFFFF  }
0x10: {  	s20 =	sld [smem:$0x3FDB];
	_ =	sdelay $0x1  }
0x11: {  	s4 =	simm.s32 $_scs_section_size  }
0x12: {  	s5 =	simm.s32 $_size__tile_overlayer_lowered;
	s6 =	simm.s32 $_tile_overlayer_lowered  }
0x13: {  	s23 =	simm.s32 $0x1BFF;
	s22 =	sshll.u32 s6, $0x1;
	s3 =	sadd.s32 s4, s20  }
0x14: {  	s7 =	simm.s32 $0x0;
	s21 =	sshll.u32 s5, $0x1;
	s5 =	sadd.s32 s22, s3  }
0x15: {  	[timem:s7], [sflag:s23] =	dma.local [hbm:s5], s21  }
0x16: {  	_ =	swait.ge [sflag:s23], s21  }
0x17: {  	s4 =	ssub.s32 $0x0, s21;
	[sflag:s23] =	ssyncset.done $0x0  }
0x18: {  	[sflag:s23] =	ssyncadd.s32 s4;
	_ =	sdelay $0x1  }
0x19: {  	s24 =	simm.s32 $0x1B8B  }
0x1a: {  	_ =	swait.ge [sflag:s24], $0x1  }
0x1b: {  	[sflag:s24] =	ssyncset.done $0x0  }
0x1c: {  	s26 =	simm.s32 $0x1B8E;
	s25 =	sld [smem:$0x3FFE];
	[sflag:s24] =	ssyncadd.s32 $0xFFFFFFFF  }
0x1d: {  	s27 =	simm.s32 $execute0_lowered;
	[smem:$0x3FD2] =	sst s26  }
0x1e: {  	s5 =	sshll.u32 s27, $0x1;
	_ =	strace $0x80000049;
	[dreg:$0x1] =	wrdreg $0xFFFFFFFF  }
0x1f: {  	s28 =	simm.s32 $_size_execute0_lowered;
	s3 =	sadd.s32 s3, s5;
	[dreg:$0x0] =	wrdreg $0x0  }
0x20: {  	s5 =	sshll.u32 s28, $0x1;
	[dreg:$0x2] =	wrdreg s3  }
0x21: {  	[dreg:$0x3] =	wrdreg s5  }
0x22: {  	[dreg:$0x4] =	wrdreg $0xC0  }
0x23: {  	_ =	task [dreg:s7], $0x5FFFF  }
0x24: {  	[dreg:$0x1] =	wrdreg $0xFFFFFFFF  }
0x25: {  	[dreg:$0x0] =	wrdreg $0x60  }
0x26: {  	[dreg:$0x2] =	wrdreg s25  }
0x27: {  	[dreg:$0x3] =	wrdreg s2  }
0x28: {  	[dreg:$0x4] =	wrdreg $0x9  }
0x29: {  	_ =	task.clear_ibuf [dreg:s7], $0x5FFFF;
	_ =	strace $0x90000049  }
0x2a: {  	s29 =	simm.s32 $0x9;
	_ =	strace $0x8000004B  }
0x2b: {  	_ =	swait.ge [sflag:s29], $0x1  }
0x2c: {  	[sflag:s29] =	ssyncadd.s32 $0xFFFFFFFF  }
0x2d: {  	_ =	strace $0x9000004B  }
0x2e: {  	_ =	sfence  }
0x2f: {  	s30 =	sld [smem:$0x0];
	_ =	sdelay $0x2  }
0x30: {  	s31 =	sshll.u32 s1, $0xD;
	s1 =	sshrl.u32 s1, $0x2  }
0x31: {  	s3 =	sand.u32 $0x4000, s31;
	s1 =	sadd.s32 s1, s30  }
0x32: {  	s0 =	sor.u32 s3, s0;
	s1 =	sshll.u32 s1, $0x11  }
0x33: {  	s0 =	sor.u32 s1, s0  }
0x34: {  	s0 =	sadd.s32 $0x8F2B, s0  }
0x35: {  	[sflag:s0] =	ssyncadd.remote.s32 $0x1  }
0x36: {  	_ =	sfence.sel $0xFFFF  }
0x37: {  	[dreg:$0x0] =	wrdreg $0xFFFFFFFF;
	(pc) =	sbr.abs _section_cstart, $3  }
0x38: {  	[dreg:$0x1] =	wrdreg $0xFFFFFFFF  }
0x39: {  	_ =	task.clear_ibuf [dreg:s7], $0x2FFFF;
	_ =	strace $0x9FFFFFFF  }
0x3a: {  	(tm) =	ssettm $0x7FFFFFFF  }
0x3b: {  	_ =	shalt  }
tec
execute0_lowered:
.L_overlay_start_1:
0x0: {  	(tag) =	ssettag $0x1  }
0x1: {  	s0 =	srdreg.scid  }
0x2: {  	s1 =	sshll.u32 s0, $0x4  }
0x3: {  	s0 =	stileid.u32;
	s1 =	sand.u32 $0x10, s1  }
0x4: {  	s1 =	sor.u32 s0, s1  }
0x5: {  	s6 =	rddreg [dreg:$0x0];
	s4 =	simm.s32 $0x1;
	s2 =	sshll.u32 s1, $0x7  }
0x6: {  	s7 =	simm.s32 $0x2;
	s12 =	simm.s32 $0x0;
	s1 =	ssub.s32 $0x4000, s2  }
0x7: {  	s8 =	simm.s32 $0x20000;
	s13 =	simm.s32 $0x0;
	s3 =	sand.u32 $0xF80, s1  }
0x8: {  	s9 =	simm.s32 $0x0;
	s5 =	sshrl.u32 s1, $0xC;
	p0 =	sne.s32 s3, $0x0  }
.Ltmp0:
0x9: {  	s1 =	rddreg [dreg:$0x2];
	s4 =	simm.s32 @!p0 $0x0;
	(pc) =	sbr.rel .LBB1_1-.Ltmp0, $4  }
0xa: {  	s11 =	simm.s32 $0x0;
	s3 =	rddreg [dreg:$0x1];
	s5 =	sadd.s32 s4, s5  }
0xb: {  	_ =	strace $0x8000004A;
	s4 =	simm.s32 $0x1;
	s5 =	smul.u32 $0x32, s5  }
0xc: {  	s6 =	sadd.s32 $0xA00, s6;
	s10 =	smov.u32 s2;
	[sflag:s4] =	ssyncpa.u1 $0x0  }
0xd: {  	p0 =	por $0x0, $0x0;
	[sflag:s7] =	ssyncpa.u1 $0x0;
	s7 =	sor.u32 $0x1, s5  }
.LBB1_4:
0xe: {  	s16 =	sshll.u32 s13, $0x3;
	s17 =	sand.u32 $0x78, s13  }
0xf: {  	s30 =	sand.u32 $0x1F800, s13;
	s12 =	sshll.u32 s12, $0x11;
	s16 =	sand.u32 $0x3C00, s16  }
0x10: {  	[tilespmem:s15+$0x810 ss:$0x81] =	vst.msk $0xffff, v2;
	s31 =	sand.u32 $0x7, s13;
	s16 =	sor.u32 s17, s16;
	s17 =	sadd.s32 s3, s30  }
0x11: {  	[tilespmem:s15+$0x1020 ss:$0x81] =	vst.msk $0xffff, v0;
	s13 =	sshll.u32 s31, $0x12;
	s12 =	sadd.s32 s12, s17;
	s16 =	sshrl.u32 s16, $0x3  }
0x12: {  	[tilespmem:s15+$0x0 ss:$0x81] =	vst.msk $0xffff, v1;
	s13 =	sor.u32 $0x400, s13;
	s12 =	sadd.s32 s16, s12  }
0x13: {  	[hbm4b:s12+s13] =	stream.strided.scatter [tilespmem:s14], [sflag:$0x2], $0x2000, s8, s13, $0x20;
	[tilespmem:$0x8080] =	vst v63  }
.LBB1_5:
0x14: {  	s14 =	sadd.s32 $0x1, s9  }
0x15: {  	s12 =	sadd.s32 $0x1000, s10;
	s16 =	smov.u32 s10;
	p2 =	sgt.s32 s14, $0x31  }
0x16: {  	s16 =	smov.u32 @p2 s12  }
0x17: {  	s14 =	simm.s32 @p2 $0x0;
	p2 =	sgt.s32 s16, $0x3FFF  }
0x18: {  	s16 =	smov.u32 @p2 s2;
	p2 =	sne.s32 s11, s7  }
.Ltmp1:
0x19: {  	p1 =	slt.u32 s11, $0x2;
	(pc) =	sbr.rel @!p2 .LBB1_6-.Ltmp1, $4  }
0x1a: {  	s15 =	simm.s32 @!p1 $0x2  }
0x1b: {  	s13 =	smov.u32 s10;
	p0 =	por !p0, !p0;
	_ =	swait.ge @!p1 [sflag:s15], $0x2000  }
0x1c: {  	s12 =	smov.u32 s9;
	[sflag:s15] =	ssyncset.done @!p1 $0x0;
	s9 =	smov.u32 s14  }
0x1d: {  	s11 =	sadd.s32 $0x1, s11;
	[sflag:s15] =	ssyncadd.s32 @!p1 $0xFFFFE000;
	s10 =	smov.u32 s16  }
.LBB1_1:
0x1e: {  	p1 =	sge.u32 s11, s5  }
0x1f: {  	s14 =	sand.u32 @!p1 $0x1FFFFFF, s9  }
0x20: {  	s15 =	smulhi.u32 @!p1 $0x4924925, s14;
	_ =	sdelay $0x1  }
0x21: {  	s15 =	smul.u32 @!p1 $0x38, s15  }
0x22: {  	s16 =	sxor.u32 @!p1 $0xFFFFFFFF, s11;
	s17 =	smul.u32 @!p1 $0x380, s10  }
0x23: {  	s31 =	sadd.s32 $0xFFFFFFFF, s11;
	s16 =	sshll.u32 @!p1 s16, $0xD;
	s14 =	ssub.s32 @!p1 s14, s15  }
0x24: {  	s15 =	sand.u32 @!p1 $0x2000, s16;
	s16 =	sadd.s32 @!p1 s6, s17;
	s14 =	sshll.u32 @!p1 s14, $0x4  }
0x25: {  	s17 =	simm.s32 @!p1 $0x1C00;
	s14 =	sadd.s32 @!p1 s14, s16;
	s16 =	simm.s32 @!p1 $0x40  }
0x26: {  	[tilespmem:s15], [sflag:$0x1] =	stream.strided.gather @!p1 [hbm4b:s14+s16], $0x2000, s17, s16, $0x38;
	[tilespmem:$0x8080] =	vst v63  }
0x27: {  	p1 =	sge.u32 s31, s5  }
.Ltmp2:
0x28: {  	_ = 	snop;
	(pc) =	sbr.rel @p1 .LBB1_5-.Ltmp2, $1  }
0x29: {  	_ =	sdelay $0x3  }
0x2a: {  	s14 =	simm.s32 $0x1  }
0x2b: {  	_ =	swait.ge [sflag:s4], $0x2000;
	s14 =	simm.s32 @!p0 $0x0  }
0x2c: {  	[sflag:s4] =	ssyncset.done $0x0;
	s15 =	sshll.u32 s14, $0xD  }
0x2d: {  	[sflag:s4] =	ssyncadd.s32 $0xFFFFE000;
	s18 =	sor.u32 $0x20, s15  }
0x2e: {  	s14 =	smul.u32 $0x8100, s14;
	v3 =	vld [tilespmem:s18+$0x10]  }
0x2f: {  	s30 =	sand.u32 $0x1, s11;
	v2 =	vld [tilespmem:s18+$0xFFFFFFF0]  }
0x30: {  	s15 =	smul.u32 $0x8100, s30;
	s14 =	sshrl.u32 s14, $0x2;
	v0 =	vld [tilespmem:s18+$0x0]  }
0x31: {  	v1 =	vld [tilespmem:s18+$0xFFFFFFE0];
	s16 =	sor.u32 $0x4000, s14  }
0x32: {  	s31 =	sshrl.u32 s15, $0x2;
	s15 =	sadd.s32 $0x0, s16  }
0x33: {  	s17 =	simm.s32 $0x4;
	s18 =	sadd.s32 $0x40, s18;
	s14 =	sor.u32 $0x4000, s31;
	[tilespmem:s15+$0x1830 ss:$0x81] =	vst.msk $0xffff, v3  }
.LBB1_3:
0x34: {  	v3 =	vld [tilespmem:s18+$0x10];
	p1 =	sne.s32 s17, $0x1FC;
	[tilespmem:s15+$0x810 ss:$0x81] =	vst.msk $0xffff, v2;
	s19 =	smov.u32 s17;
	s17 =	sadd.s32 $0x4, s17  }
.Ltmp3:
0x35: {  	v2 =	vld [tilespmem:s18+$0xFFFFFFF0];
	[tilespmem:s15+$0x1020 ss:$0x81] =	vst.msk $0xffff, v0;
	(pc) =	sbr.rel @p1 .LBB1_3-.Ltmp3, $4  }
0x36: {  	v0 =	vld [tilespmem:s18+$0x0];
	[tilespmem:s15+$0x0 ss:$0x81] =	vst.msk $0xffff, v1  }
0x37: {  	s15 =	sshra.s32 s19, $0x2;
	v1 =	vld [tilespmem:s18+$0xFFFFFFE0]  }
0x38: {  	s15 =	sadd.s32 s15, s16  }
0x39: {  	s18 =	sadd.s32 $0x40, s18;
	[tilespmem:s15+$0x1830 ss:$0x81] =	vst.msk $0xffff, v3  }
.Ltmp4:
0x3a: {  	_ = 	snop;
	(pc) =	sbr.rel .LBB1_4-.Ltmp4, $1  }
0x3b: {  	_ =	sdelay $0x3  }
.LBB1_6:
0x3c: {  	_ =	sfence.sel $0x180000  }
0x3d: {  	s2 =	simm.s32 $0x1;
	[bflag:$0x0] =	sbarrier.arrive $0xFFFF  }
0x3e: {  	s31 =	simm.s32 $0x2;
	[sflag:s2] =	ssyncpa.u1 $0x1  }
0x3f: {  	[sflag:s31] =	ssyncpa.u1 $0x1  }
0x40: {  	p0 =	sne.s32 s0, $0x0;
	_ =	strace $0x9000004A  }
0x41: {  	s0 =	sadd.s32 @!p0 $0x100000, s1;
	[bflag:$0x2] =	sbarrier.arrive $0xFFFF  }
0x42: {  	[sflag:s0] =	ssyncadd.tile.s32 @!p0 $0x1;
	_ =	shalt  }
.Lfunc_end1:
_tile_overlayer_lowered:
.L_overlay_start_2:
0x43: {  	(tag) =	ssettag $0x2  }
0x44: {  	s0 =	rddreg [dreg:$0x0];
	s2 =	stileid.u32  }
0x45: {  	s1 =	rddreg [dreg:$0x1];
	p0 =	sne.s32 s2, $0x0  }
0x46: {  	s3 =	rddreg [dreg:$0x2];
	[bflag:$0x3] =	sbarrier.arrive $0xFFFF;
	s2 =	simm.s32 @!p0 $0x1C01  }
0x47: {  	[timem:s3], [sflag:s2] =	dma.local @!p0 [hbm:s0], s1  }
0x48: {  	s0 =	simm.s32 @!p0 $0x1  }
0x49: {  	_ =	swait.ge @!p0 [sflag:s0], s1  }
0x4a: {  	s1 =	ssub.s32 @!p0 $0x0, s1;
	[sflag:s0] =	ssyncset.done @!p0 $0x0  }
0x4b: {  	[sflag:s0] =	ssyncadd.s32 @!p0 s1  }
0x4c: {  	[bflag:$0x3] =	sbarrier.arrive $0xFFFF  }
0x4d: {  	_ =	shalt  }

</sc_bundles>
